<compile_context>
chip_gen: v7x
topology: tpu7x:2x2x1
jax: 0.10.2.dev20260603
libtpu: 0.0.44.dev20260713+nightly
codegen_flags: <defaults>
</compile_context>

<pallas_src>
import functools

import jax
import jax.numpy as jnp
from jax import lax
from jax.experimental import pallas as pl
from jax.experimental.pallas import tpu as pltpu
from jax.experimental.pallas import tpu_sc as plsc

N = 10000
E = 320000
F = 128
H = 128
C = 16

NW = 32
K = 128
J = 80
NP = 10240
RPT = NP // 16
BLK = 1000


def _mm_kernel(x_ref, w_ref, o_ref):
    o_ref[...] = jnp.dot(x_ref[...], w_ref[...],
                         preferred_element_type=jnp.float32)


def _comb_mm_kernel(p_ref, b_ref, w_ref, o_ref):
    agg = p_ref[0] + p_ref[1]
    h = jnp.maximum(agg + b_ref[...], 0.0)
    o_ref[...] = jnp.dot(h, w_ref[...], preferred_element_type=jnp.float32)


def _final_kernel(p_ref, b_ref, w_ref, b3_ref, o_ref):
    agg = p_ref[0] + p_ref[1]
    h = jnp.maximum(agg + b_ref[...], 0.0)
    logits = jnp.dot(h, w_ref[...], preferred_element_type=jnp.float32)
    logits = logits + b3_ref[...]
    m = jnp.max(logits, axis=1, keepdims=True)
    shifted = logits - m
    o_ref[...] = shifted - jnp.log(
        jnp.sum(jnp.exp(shifted), axis=1, keepdims=True))


def _sc_segsum(support, srcp, dstp, zeros):
    mesh = plsc.VectorSubcoreMesh(core_axis_name="c", subcore_axis_name="s")

    @functools.partial(
        pl.kernel,
        out_type=jax.ShapeDtypeStruct((2, NP, H), jnp.float32),
        mesh=mesh,
        scratch_types=[
            pltpu.VMEM((J, K), jnp.int32),
            pltpu.VMEM((J, K), jnp.int32),
            pltpu.VMEM((K, H), jnp.float32),
            pltpu.VMEM_SHARED((NP, H), jnp.float32),
            pltpu.SemaphoreType.DMA,
        ],
    )
    def seg_kernel(zeros_hbm, support_hbm, src_hbm, dst_hbm, out_hbm,
                   srcv, dstv, rows, acc, sem):
        c = lax.axis_index("c")
        s = lax.axis_index("s")
        wid = s * 2 + c
        pltpu.sync_copy(zeros_hbm.at[pl.ds(s * RPT, RPT)],
                        acc.at[pl.ds(s * RPT, RPT)])
        pltpu.sync_copy(src_hbm.at[wid], srcv)
        pltpu.sync_copy(dst_hbm.at[wid], dstv)
        plsc.subcore_barrier()

        def body(j, carry):
            pltpu.async_copy(support_hbm.at[srcv.at[j]], rows, sem).wait()
            pltpu.sync_copy(rows, acc.at[dstv.at[j]], add=True)
            return carry

        lax.fori_loop(0, J, body, 0)
        plsc.subcore_barrier()
        pltpu.sync_copy(acc.at[pl.ds(s * RPT, RPT)],
                        out_hbm.at[c, pl.ds(s * RPT, RPT)])

    return seg_kernel(zeros, support, srcp, dstp)


def _tc_matmul(x, w):
    return pl.pallas_call(
        _mm_kernel,
        grid=(N // BLK,),
        in_specs=[
            pl.BlockSpec((BLK, F), lambda i: (i, 0)),
            pl.BlockSpec((F, H), lambda i: (0, 0)),
        ],
        out_specs=pl.BlockSpec((BLK, H), lambda i: (i, 0)),
        out_shape=jax.ShapeDtypeStruct((N, H), jnp.float32),
    )(x, w)


def _tc_comb_matmul(part, b, w):
    return pl.pallas_call(
        _comb_mm_kernel,
        grid=(N // BLK,),
        in_specs=[
            pl.BlockSpec((2, BLK, H), lambda i: (0, i, 0)),
            pl.BlockSpec((1, H), lambda i: (0, 0)),
            pl.BlockSpec((H, H), lambda i: (0, 0)),
        ],
        out_specs=pl.BlockSpec((BLK, H), lambda i: (i, 0)),
        out_shape=jax.ShapeDtypeStruct((N, H), jnp.float32),
    )(part, b, w)


def _tc_final(part, b, w, b3):
    return pl.pallas_call(
        _final_kernel,
        grid=(N // BLK,),
        in_specs=[
            pl.BlockSpec((2, BLK, H), lambda i: (0, i, 0)),
            pl.BlockSpec((1, H), lambda i: (0, 0)),
            pl.BlockSpec((H, C), lambda i: (0, 0)),
            pl.BlockSpec((1, C), lambda i: (0, 0)),
        ],
        out_specs=pl.BlockSpec((BLK, C), lambda i: (i, 0)),
        out_shape=jax.ShapeDtypeStruct((N, C), jnp.float32),
    )(part, b, w, b3)


def kernel(x, edge_index, W1, b1, W2, b2, W3, b3):
    f32 = jnp.float32
    W1p = jnp.zeros((F, H), f32).at[:, :W1.shape[1]].set(W1)
    W2p = jnp.zeros((H, H), f32).at[:W2.shape[0], :W2.shape[1]].set(W2)
    W3p = jnp.zeros((H, C), f32).at[:W3.shape[0], :].set(W3)
    b1p = jnp.zeros((1, H), f32).at[0, :b1.shape[0]].set(b1)
    b2p = jnp.zeros((1, H), f32).at[0, :b2.shape[0]].set(b2)
    b3p = b3.reshape(1, C)

    src = edge_index[0]
    dst = edge_index[1]
    npad = NW * J * K - E
    pad_iota = jnp.arange(npad, dtype=jnp.int32)
    srcp = jnp.concatenate(
        [src, pad_iota % 8]).reshape(NW, J, K)
    dstp = jnp.concatenate(
        [dst, N + pad_iota % (NP - N)]).reshape(NW, J, K)
    zeros = jnp.zeros((NP, H), f32)

    support1 = _tc_matmul(x, W1p)
    part1 = _sc_segsum(support1, srcp, dstp, zeros)
    support2 = _tc_comb_matmul(part1, b1p, W2p)
    part2 = _sc_segsum(support2, srcp, dstp, zeros)
    return _tc_final(part2, b2p, W3p, b3p)

# --- scband reference (transcript-rebuilt; emitter-appended) ---
"""Pipeline reference for scband-cora-gcn-method-33363305955867 (READ-ONLY COPY).

The authoritative reference and input builder live on the scoring server;
editing this copy changes nothing except your own understanding.
"""

import jax, jax.numpy as jnp
import numpy as np

N, E, F, H1, H2, C = 10000, 320000, 128, 100, 100, 16

def setup_inputs(seed: int = 0) -> dict:
    key = jax.random.key(seed)
    ks = jax.random.split(key, 10)
    x = jax.random.normal(ks[0], (N, F), dtype=jnp.float32)
    edge_index = jax.random.randint(ks[1], (2, E), 0, N, dtype=jnp.int32)
    W1 = jax.random.normal(ks[2], (F, H1), dtype=jnp.float32) * 0.1
    b1 = jnp.zeros((H1,), dtype=jnp.float32)
    W2 = jax.random.normal(ks[3], (H1, H2), dtype=jnp.float32) * 0.1
    b2 = jnp.zeros((H2,), dtype=jnp.float32)
    W3 = jax.random.normal(ks[4], (H2, C), dtype=jnp.float32) * 0.1
    b3 = jnp.zeros((C,), dtype=jnp.float32)
    return {"x": x, "edge_index": edge_index, "W1": W1, "b1": b1, "W2": W2, "b2": b2, "W3": W3, "b3": b3}

def _graph_conv(h, src, dst, W, b, n_nodes):
    support = h @ W
    msgs = jnp.take(support, src, axis=0)
    agg = jax.ops.segment_sum(msgs, dst, num_segments=n_nodes)
    return agg + b

def reference(x, edge_index, W1, b1, W2, b2, W3, b3):
    src = edge_index[0]
    dst = edge_index[1]
    n_nodes = x.shape[0]
    # gc1 + ReLU (dropout is identity in eval mode)
    h1 = jax.nn.relu(_graph_conv(x, src, dst, W1, b1, n_nodes))
    # gc2 + ReLU
    h2 = jax.nn.relu(_graph_conv(h1, src, dst, W2, b2, n_nodes))
    # fc3 + LogSoftmax
    logits = h2 @ W3 + b3
    return jax.nn.log_softmax(logits, axis=1)

if __name__ == "__main__":
    import jax
    _d = setup_inputs()
    print(jax.jit(kernel)(*tuple(_d.values())))

</pallas_src>

<mosaic_0001>
#map = affine_map<(d0, d1) -> (0, 0)>
#map1 = affine_map<(d0, d1) -> (0, 0, 0)>
module attributes {stable_mosaic.version = 14 : i64} {
  func.func @seg_kernel(%arg0: i32, %arg1: i32, %arg2: memref<10240x128xf32, #tpu.memory_space<hbm>>, %arg3: memref<10000x128xf32, #tpu.memory_space<hbm>>, %arg4: memref<32x80x128xi32, #tpu.memory_space<hbm>>, %arg5: memref<32x80x128xi32, #tpu.memory_space<hbm>>, %arg6: memref<2x10240x128xf32, #tpu.memory_space<hbm>>, %arg7: memref<80x128xi32, #tpu.memory_space<vmem>>, %arg8: memref<80x128xi32, #tpu.memory_space<vmem>>, %arg9: memref<128x128xf32, #tpu.memory_space<vmem>>, %arg10: memref<10240x128xf32, #tpu.memory_space<vmem_shared>>, %arg11: memref<!tpu.dma_semaphore, #tpu.memory_space<semaphore_mem>>) attributes {dimension_semantics = [#tpu.dimension_semantics<core_parallel>, #tpu.dimension_semantics<subcore_parallel>], iteration_bounds = array<i64: 2, 16>, scalar_prefetch = 0 : i64, scratch_operands = 5 : i64, tpu.core_type = #tpu.core_type<sc_vector_subcore>, window_params = [{transform_indices = #map}, {transform_indices = #map}, {transform_indices = #map1}, {transform_indices = #map1}, {transform_indices = #map1}]} {
    %mul3A = arith.constant 2 : i32
    %mul3A_0 = arith.muli %arg1, %mul3A : i32
    %add3A = arith.addi %mul3A_0, %arg0 : i32
    %mul3A_1 = arith.constant 640 : i32
    %mul3A_2 = arith.muli %arg1, %mul3A_1 : i32
    %mul3A_3 = arith.constant 640 : i32
    %mul3A_4 = arith.muli %arg1, %mul3A_3 : i32
    "tpu.region"() ({
      %run_scoped3A = tpu.sem_alloc : memref<!tpu.dma_semaphore, #tpu.memory_space<semaphore_mem>>
      %dma_start3A = arith.constant 0 : i32
      %dma_start3A_15 = tpu.memref_slice %arg10[%mul3A_4, %dma_start3A] : memref<10240x128xf32, #tpu.memory_space<vmem_shared>> -> memref<640x128xf32, #tpu.memory_space<vmem_shared>>
      %dma_start3A_16 = arith.constant 0 : i32
      %dma_start3A_17 = tpu.memref_slice %arg2[%mul3A_2, %dma_start3A_16] : memref<10240x128xf32, #tpu.memory_space<hbm>> -> memref<640x128xf32, #tpu.memory_space<hbm>>
      tpu.enqueue_dma source(%dma_start3A_17 : memref<640x128xf32, #tpu.memory_space<hbm>>) target(%dma_start3A_15 : memref<640x128xf32, #tpu.memory_space<vmem_shared>>) target_semaphore(%run_scoped3A : memref<!tpu.dma_semaphore, #tpu.memory_space<semaphore_mem>>)
      %dma_wait3A = arith.constant 0 : i32
      %dma_wait3A_18 = tpu.memref_slice %arg10[%mul3A_4, %dma_wait3A] : memref<10240x128xf32, #tpu.memory_space<vmem_shared>> -> memref<640x128xf32, #tpu.memory_space<vmem_shared>>
      %dma_wait3A_19 = arith.constant 0 : i32
      %dma_wait3A_20 = tpu.memref_slice %arg2[%mul3A_2, %dma_wait3A_19] : memref<10240x128xf32, #tpu.memory_space<hbm>> -> memref<640x128xf32, #tpu.memory_space<hbm>>
      tpu.wait_dma2 semaphore(%run_scoped3A : memref<!tpu.dma_semaphore, #tpu.memory_space<semaphore_mem>>) src(%dma_wait3A_20 : memref<640x128xf32, #tpu.memory_space<hbm>>) dst(%dma_wait3A_18 : memref<640x128xf32, #tpu.memory_space<vmem_shared>>)
      tpu.yield
    }) : () -> ()
    "tpu.region"() ({
      %run_scoped3A = tpu.sem_alloc : memref<!tpu.dma_semaphore, #tpu.memory_space<semaphore_mem>>
      %dma_start3A = arith.constant 0 : i32
      %dma_start3A_15 = arith.constant 0 : i32
      %dma_start3A_16 = tpu.memref_slice %arg4[%add3A, %dma_start3A, %dma_start3A_15] : memref<32x80x128xi32, #tpu.memory_space<hbm>> -> memref<1x80x128xi32, #tpu.memory_space<hbm>>
      %dma_start3A_17 = tpu.memref_squeeze %dma_start3A_16 : memref<1x80x128xi32, #tpu.memory_space<hbm>> -> memref<80x128xi32, #tpu.memory_space<hbm>>
      %dma_start3A_18 = arith.constant 0 : i32
      %dma_start3A_19 = arith.constant 0 : i32
      %dma_start3A_20 = tpu.memref_slice %arg4[%add3A, %dma_start3A_18, %dma_start3A_19] : memref<32x80x128xi32, #tpu.memory_space<hbm>> -> memref<1x80x128xi32, #tpu.memory_space<hbm>>
      %dma_start3A_21 = tpu.memref_squeeze %dma_start3A_20 : memref<1x80x128xi32, #tpu.memory_space<hbm>> -> memref<80x128xi32, #tpu.memory_space<hbm>>
      tpu.enqueue_dma source(%dma_start3A_21 : memref<80x128xi32, #tpu.memory_space<hbm>>) target(%arg7 : memref<80x128xi32, #tpu.memory_space<vmem>>) target_semaphore(%run_scoped3A : memref<!tpu.dma_semaphore, #tpu.memory_space<semaphore_mem>>)
      %dma_wait3A = arith.constant 0 : i32
      %dma_wait3A_22 = arith.constant 0 : i32
      %dma_wait3A_23 = tpu.memref_slice %arg4[%add3A, %dma_wait3A, %dma_wait3A_22] : memref<32x80x128xi32, #tpu.memory_space<hbm>> -> memref<1x80x128xi32, #tpu.memory_space<hbm>>
      %dma_wait3A_24 = tpu.memref_squeeze %dma_wait3A_23 : memref<1x80x128xi32, #tpu.memory_space<hbm>> -> memref<80x128xi32, #tpu.memory_space<hbm>>
      %dma_wait3A_25 = arith.constant 0 : i32
      %dma_wait3A_26 = arith.constant 0 : i32
      %dma_wait3A_27 = tpu.memref_slice %arg4[%add3A, %dma_wait3A_25, %dma_wait3A_26] : memref<32x80x128xi32, #tpu.memory_space<hbm>> -> memref<1x80x128xi32, #tpu.memory_space<hbm>>
      %dma_wait3A_28 = tpu.memref_squeeze %dma_wait3A_27 : memref<1x80x128xi32, #tpu.memory_space<hbm>> -> memref<80x128xi32, #tpu.memory_space<hbm>>
      tpu.wait_dma2 semaphore(%run_scoped3A : memref<!tpu.dma_semaphore, #tpu.memory_space<semaphore_mem>>) src(%dma_wait3A_28 : memref<80x128xi32, #tpu.memory_space<hbm>>) dst(%arg7 : memref<80x128xi32, #tpu.memory_space<vmem>>)
      tpu.yield
    }) : () -> ()
    "tpu.region"() ({
      %run_scoped3A = tpu.sem_alloc : memref<!tpu.dma_semaphore, #tpu.memory_space<semaphore_mem>>
      %dma_start3A = arith.constant 0 : i32
      %dma_start3A_15 = arith.constant 0 : i32
      %dma_start3A_16 = tpu.memref_slice %arg5[%add3A, %dma_start3A, %dma_start3A_15] : memref<32x80x128xi32, #tpu.memory_space<hbm>> -> memref<1x80x128xi32, #tpu.memory_space<hbm>>
      %dma_start3A_17 = tpu.memref_squeeze %dma_start3A_16 : memref<1x80x128xi32, #tpu.memory_space<hbm>> -> memref<80x128xi32, #tpu.memory_space<hbm>>
      %dma_start3A_18 = arith.constant 0 : i32
      %dma_start3A_19 = arith.constant 0 : i32
      %dma_start3A_20 = tpu.memref_slice %arg5[%add3A, %dma_start3A_18, %dma_start3A_19] : memref<32x80x128xi32, #tpu.memory_space<hbm>> -> memref<1x80x128xi32, #tpu.memory_space<hbm>>
      %dma_start3A_21 = tpu.memref_squeeze %dma_start3A_20 : memref<1x80x128xi32, #tpu.memory_space<hbm>> -> memref<80x128xi32, #tpu.memory_space<hbm>>
      tpu.enqueue_dma source(%dma_start3A_21 : memref<80x128xi32, #tpu.memory_space<hbm>>) target(%arg8 : memref<80x128xi32, #tpu.memory_space<vmem>>) target_semaphore(%run_scoped3A : memref<!tpu.dma_semaphore, #tpu.memory_space<semaphore_mem>>)
      %dma_wait3A = arith.constant 0 : i32
      %dma_wait3A_22 = arith.constant 0 : i32
      %dma_wait3A_23 = tpu.memref_slice %arg5[%add3A, %dma_wait3A, %dma_wait3A_22] : memref<32x80x128xi32, #tpu.memory_space<hbm>> -> memref<1x80x128xi32, #tpu.memory_space<hbm>>
      %dma_wait3A_24 = tpu.memref_squeeze %dma_wait3A_23 : memref<1x80x128xi32, #tpu.memory_space<hbm>> -> memref<80x128xi32, #tpu.memory_space<hbm>>
      %dma_wait3A_25 = arith.constant 0 : i32
      %dma_wait3A_26 = arith.constant 0 : i32
      %dma_wait3A_27 = tpu.memref_slice %arg5[%add3A, %dma_wait3A_25, %dma_wait3A_26] : memref<32x80x128xi32, #tpu.memory_space<hbm>> -> memref<1x80x128xi32, #tpu.memory_space<hbm>>
      %dma_wait3A_28 = tpu.memref_squeeze %dma_wait3A_27 : memref<1x80x128xi32, #tpu.memory_space<hbm>> -> memref<80x128xi32, #tpu.memory_space<hbm>>
      tpu.wait_dma2 semaphore(%run_scoped3A : memref<!tpu.dma_semaphore, #tpu.memory_space<semaphore_mem>>) src(%dma_wait3A_28 : memref<80x128xi32, #tpu.memory_space<hbm>>) dst(%arg8 : memref<80x128xi32, #tpu.memory_space<vmem>>)
      tpu.yield
    }) : () -> ()
    %barrier3A = arith.constant 0 : index
    tpu.barrier barrier_id(%barrier3A)
    %scan3A = arith.constant 0 : i32
    %scan3A_5 = arith.constant 0 : i32
    %scan3A_6 = arith.constant 80 : i32
    %scan3A_7 = arith.addi %scan3A_5, %scan3A_6 : i32
    %scan3A_8 = arith.constant 1 : i32
    scf.for %scan3A_15 = %scan3A_5 to %scan3A_7 step %scan3A_8  : i32 {
      %dma_start3A = arith.constant 0 : i32
      %dma_start3A_16 = tpu.memref_slice %arg7[%scan3A_15, %dma_start3A] : memref<80x128xi32, #tpu.memory_space<vmem>> -> memref<1x128xi32, #tpu.memory_space<vmem>>
      %dma_start3A_17 = tpu.memref_squeeze %dma_start3A_16 : memref<1x128xi32, #tpu.memory_space<vmem>> -> memref<128xi32, #tpu.memory_space<vmem>>
      %dma_start3A_18 = arith.constant 0 : i32
      %dma_start3A_19 = arith.constant 0 : i32
      %dma_start3A_20 = tpu.memref_slice %arg3[%dma_start3A_18, %dma_start3A_19] : memref<10000x128xf32, #tpu.memory_space<hbm>> -> memref<10000x128xf32, #tpu.memory_space<hbm>>
      tpu.enqueue_indirect_dma source(%dma_start3A_20 : memref<10000x128xf32, #tpu.memory_space<hbm>>) target(%arg9 : memref<128x128xf32, #tpu.memory_space<vmem>>) offsets(%dma_start3A_17 : memref<128xi32, #tpu.memory_space<vmem>>) semaphore(%arg11 : memref<!tpu.dma_semaphore, #tpu.memory_space<semaphore_mem>>)
      %dma_wait3A = arith.constant 0 : i32
      %dma_wait3A_21 = tpu.memref_slice %arg7[%scan3A_15, %dma_wait3A] : memref<80x128xi32, #tpu.memory_space<vmem>> -> memref<1x128xi32, #tpu.memory_space<vmem>>
      %dma_wait3A_22 = tpu.memref_squeeze %dma_wait3A_21 : memref<1x128xi32, #tpu.memory_space<vmem>> -> memref<128xi32, #tpu.memory_space<vmem>>
      %dma_wait3A_23 = arith.constant 0 : i32
      %dma_wait3A_24 = arith.constant 0 : i32
      %dma_wait3A_25 = tpu.memref_slice %arg3[%dma_wait3A_23, %dma_wait3A_24] : memref<10000x128xf32, #tpu.memory_space<hbm>> -> memref<10000x128xf32, #tpu.memory_space<hbm>>
      tpu.wait_indirect_dma semaphore(%arg11 : memref<!tpu.dma_semaphore, #tpu.memory_space<semaphore_mem>>) src(%dma_wait3A_25 : memref<10000x128xf32, #tpu.memory_space<hbm>>) dst(%arg9 : memref<128x128xf32, #tpu.memory_space<vmem>>)
      "tpu.region"() ({
        %run_scoped3A = tpu.sem_alloc : memref<!tpu.dma_semaphore, #tpu.memory_space<semaphore_mem>>
        %dma_start3A_26 = arith.constant 0 : i32
        %dma_start3A_27 = tpu.memref_slice %arg8[%scan3A_15, %dma_start3A_26] : memref<80x128xi32, #tpu.memory_space<vmem>> -> memref<1x128xi32, #tpu.memory_space<vmem>>
        %dma_start3A_28 = tpu.memref_squeeze %dma_start3A_27 : memref<1x128xi32, #tpu.memory_space<vmem>> -> memref<128xi32, #tpu.memory_space<vmem>>
        %dma_start3A_29 = arith.constant 0 : i32
        %dma_start3A_30 = arith.constant 0 : i32
        %dma_start3A_31 = tpu.memref_slice %arg10[%dma_start3A_29, %dma_start3A_30] : memref<10240x128xf32, #tpu.memory_space<vmem_shared>> -> memref<10240x128xf32, #tpu.memory_space<vmem_shared>>
        tpu.enqueue_indirect_dma source(%arg9 : memref<128x128xf32, #tpu.memory_space<vmem>>) target(%dma_start3A_31 : memref<10240x128xf32, #tpu.memory_space<vmem_shared>>) offsets(%dma_start3A_28 : memref<128xi32, #tpu.memory_space<vmem>>) semaphore(%run_scoped3A : memref<!tpu.dma_semaphore, #tpu.memory_space<semaphore_mem>>) {add = true}
        %dma_wait3A_32 = arith.constant 0 : i32
        %dma_wait3A_33 = tpu.memref_slice %arg8[%scan3A_15, %dma_wait3A_32] : memref<80x128xi32, #tpu.memory_space<vmem>> -> memref<1x128xi32, #tpu.memory_space<vmem>>
        %dma_wait3A_34 = tpu.memref_squeeze %dma_wait3A_33 : memref<1x128xi32, #tpu.memory_space<vmem>> -> memref<128xi32, #tpu.memory_space<vmem>>
        %dma_wait3A_35 = arith.constant 0 : i32
        %dma_wait3A_36 = arith.constant 0 : i32
        %dma_wait3A_37 = tpu.memref_slice %arg10[%dma_wait3A_35, %dma_wait3A_36] : memref<10240x128xf32, #tpu.memory_space<vmem_shared>> -> memref<10240x128xf32, #tpu.memory_space<vmem_shared>>
        tpu.wait_indirect_dma semaphore(%run_scoped3A : memref<!tpu.dma_semaphore, #tpu.memory_space<semaphore_mem>>) src(%arg9 : memref<128x128xf32, #tpu.memory_space<vmem>>) dst(%dma_wait3A_37 : memref<10240x128xf32, #tpu.memory_space<vmem_shared>>)
        tpu.yield
      }) : () -> ()
    }
    %scan3A_9 = arith.constant 80 : i32
    %barrier3A_10 = arith.constant 0 : index
    tpu.barrier barrier_id(%barrier3A_10)
    %mul3A_11 = arith.constant 640 : i32
    %mul3A_12 = arith.muli %arg1, %mul3A_11 : i32
    %mul3A_13 = arith.constant 640 : i32
    %mul3A_14 = arith.muli %arg1, %mul3A_13 : i32
    "tpu.region"() ({
      %run_scoped3A = tpu.sem_alloc : memref<!tpu.dma_semaphore, #tpu.memory_space<semaphore_mem>>
      %dma_start3A = arith.constant 0 : i32
      %dma_start3A_15 = tpu.memref_slice %arg6[%arg0, %mul3A_14, %dma_start3A] : memref<2x10240x128xf32, #tpu.memory_space<hbm>> -> memref<1x640x128xf32, #tpu.memory_space<hbm>>
      %dma_start3A_16 = tpu.memref_squeeze %dma_start3A_15 : memref<1x640x128xf32, #tpu.memory_space<hbm>> -> memref<640x128xf32, #tpu.memory_space<hbm>>
      %dma_start3A_17 = arith.constant 0 : i32
      %dma_start3A_18 = tpu.memref_slice %arg10[%mul3A_12, %dma_start3A_17] : memref<10240x128xf32, #tpu.memory_space<vmem_shared>> -> memref<640x128xf32, #tpu.memory_space<vmem_shared>>
      tpu.enqueue_dma source(%dma_start3A_18 : memref<640x128xf32, #tpu.memory_space<vmem_shared>>) target(%dma_start3A_16 : memref<640x128xf32, #tpu.memory_space<hbm>>) target_semaphore(%run_scoped3A : memref<!tpu.dma_semaphore, #tpu.memory_space<semaphore_mem>>)
      %dma_wait3A = arith.constant 0 : i32
      %dma_wait3A_19 = tpu.memref_slice %arg6[%arg0, %mul3A_14, %dma_wait3A] : memref<2x10240x128xf32, #tpu.memory_space<hbm>> -> memref<1x640x128xf32, #tpu.memory_space<hbm>>
      %dma_wait3A_20 = tpu.memref_squeeze %dma_wait3A_19 : memref<1x640x128xf32, #tpu.memory_space<hbm>> -> memref<640x128xf32, #tpu.memory_space<hbm>>
      %dma_wait3A_21 = arith.constant 0 : i32
      %dma_wait3A_22 = tpu.memref_slice %arg10[%mul3A_12, %dma_wait3A_21] : memref<10240x128xf32, #tpu.memory_space<vmem_shared>> -> memref<640x128xf32, #tpu.memory_space<vmem_shared>>
      tpu.wait_dma2 semaphore(%run_scoped3A : memref<!tpu.dma_semaphore, #tpu.memory_space<semaphore_mem>>) src(%dma_wait3A_22 : memref<640x128xf32, #tpu.memory_space<vmem_shared>>) dst(%dma_wait3A_20 : memref<640x128xf32, #tpu.memory_space<hbm>>)
      tpu.yield
    }) : () -> ()
    return
  }
}

#map = affine_map<(d0, d1) -> (0, 0)>
#map1 = affine_map<(d0, d1) -> (0, 0, 0)>
module attributes {stable_mosaic.version = 14 : i64} {
  func.func @seg_kernel(%arg0: i32, %arg1: i32, %arg2: memref<10240x128xf32, #tpu.memory_space<hbm>>, %arg3: memref<10000x128xf32, #tpu.memory_space<hbm>>, %arg4: memref<32x80x128xi32, #tpu.memory_space<hbm>>, %arg5: memref<32x80x128xi32, #tpu.memory_space<hbm>>, %arg6: memref<2x10240x128xf32, #tpu.memory_space<hbm>>, %arg7: memref<80x128xi32, #tpu.memory_space<vmem>>, %arg8: memref<80x128xi32, #tpu.memory_space<vmem>>, %arg9: memref<128x128xf32, #tpu.memory_space<vmem>>, %arg10: memref<10240x128xf32, #tpu.memory_space<vmem_shared>>, %arg11: memref<!tpu.dma_semaphore, #tpu.memory_space<semaphore_mem>>) attributes {dimension_semantics = [#tpu.dimension_semantics<core_parallel>, #tpu.dimension_semantics<subcore_parallel>], iteration_bounds = array<i64: 2, 16>, scalar_prefetch = 0 : i64, scratch_operands = 5 : i64, tpu.core_type = #tpu.core_type<sc_vector_subcore>, window_params = [{transform_indices = #map}, {transform_indices = #map}, {transform_indices = #map1}, {transform_indices = #map1}, {transform_indices = #map1}]} {
    %mul3A = arith.constant 2 : i32
    %mul3A_0 = arith.muli %arg1, %mul3A : i32
    %add3A = arith.addi %mul3A_0, %arg0 : i32
    %mul3A_1 = arith.constant 640 : i32
    %mul3A_2 = arith.muli %arg1, %mul3A_1 : i32
    %mul3A_3 = arith.constant 640 : i32
    %mul3A_4 = arith.muli %arg1, %mul3A_3 : i32
    "tpu.region"() ({
      %run_scoped3A = tpu.sem_alloc : memref<!tpu.dma_semaphore, #tpu.memory_space<semaphore_mem>>
      %dma_start3A = arith.constant 0 : i32
      %dma_start3A_15 = tpu.memref_slice %arg10[%mul3A_4, %dma_start3A] : memref<10240x128xf32, #tpu.memory_space<vmem_shared>> -> memref<640x128xf32, #tpu.memory_space<vmem_shared>>
      %dma_start3A_16 = arith.constant 0 : i32
      %dma_start3A_17 = tpu.memref_slice %arg2[%mul3A_2, %dma_start3A_16] : memref<10240x128xf32, #tpu.memory_space<hbm>> -> memref<640x128xf32, #tpu.memory_space<hbm>>
      tpu.enqueue_dma source(%dma_start3A_17 : memref<640x128xf32, #tpu.memory_space<hbm>>) target(%dma_start3A_15 : memref<640x128xf32, #tpu.memory_space<vmem_shared>>) target_semaphore(%run_scoped3A : memref<!tpu.dma_semaphore, #tpu.memory_space<semaphore_mem>>)
      %dma_wait3A = arith.constant 0 : i32
      %dma_wait3A_18 = tpu.memref_slice %arg10[%mul3A_4, %dma_wait3A] : memref<10240x128xf32, #tpu.memory_space<vmem_shared>> -> memref<640x128xf32, #tpu.memory_space<vmem_shared>>
      %dma_wait3A_19 = arith.constant 0 : i32
      %dma_wait3A_20 = tpu.memref_slice %arg2[%mul3A_2, %dma_wait3A_19] : memref<10240x128xf32, #tpu.memory_space<hbm>> -> memref<640x128xf32, #tpu.memory_space<hbm>>
      tpu.wait_dma2 semaphore(%run_scoped3A : memref<!tpu.dma_semaphore, #tpu.memory_space<semaphore_mem>>) src(%dma_wait3A_20 : memref<640x128xf32, #tpu.memory_space<hbm>>) dst(%dma_wait3A_18 : memref<640x128xf32, #tpu.memory_space<vmem_shared>>)
      tpu.yield
    }) : () -> ()
    "tpu.region"() ({
      %run_scoped3A = tpu.sem_alloc : memref<!tpu.dma_semaphore, #tpu.memory_space<semaphore_mem>>
      %dma_start3A = arith.constant 0 : i32
      %dma_start3A_15 = arith.constant 0 : i32
      %dma_start3A_16 = tpu.memref_slice %arg4[%add3A, %dma_start3A, %dma_start3A_15] : memref<32x80x128xi32, #tpu.memory_space<hbm>> -> memref<1x80x128xi32, #tpu.memory_space<hbm>>
      %dma_start3A_17 = tpu.memref_squeeze %dma_start3A_16 : memref<1x80x128xi32, #tpu.memory_space<hbm>> -> memref<80x128xi32, #tpu.memory_space<hbm>>
      %dma_start3A_18 = arith.constant 0 : i32
      %dma_start3A_19 = arith.constant 0 : i32
      %dma_start3A_20 = tpu.memref_slice %arg4[%add3A, %dma_start3A_18, %dma_start3A_19] : memref<32x80x128xi32, #tpu.memory_space<hbm>> -> memref<1x80x128xi32, #tpu.memory_space<hbm>>
      %dma_start3A_21 = tpu.memref_squeeze %dma_start3A_20 : memref<1x80x128xi32, #tpu.memory_space<hbm>> -> memref<80x128xi32, #tpu.memory_space<hbm>>
      tpu.enqueue_dma source(%dma_start3A_21 : memref<80x128xi32, #tpu.memory_space<hbm>>) target(%arg7 : memref<80x128xi32, #tpu.memory_space<vmem>>) target_semaphore(%run_scoped3A : memref<!tpu.dma_semaphore, #tpu.memory_space<semaphore_mem>>)
      %dma_wait3A = arith.constant 0 : i32
      %dma_wait3A_22 = arith.constant 0 : i32
      %dma_wait3A_23 = tpu.memref_slice %arg4[%add3A, %dma_wait3A, %dma_wait3A_22] : memref<32x80x128xi32, #tpu.memory_space<hbm>> -> memref<1x80x128xi32, #tpu.memory_space<hbm>>
      %dma_wait3A_24 = tpu.memref_squeeze %dma_wait3A_23 : memref<1x80x128xi32, #tpu.memory_space<hbm>> -> memref<80x128xi32, #tpu.memory_space<hbm>>
      %dma_wait3A_25 = arith.constant 0 : i32
      %dma_wait3A_26 = arith.constant 0 : i32
      %dma_wait3A_27 = tpu.memref_slice %arg4[%add3A, %dma_wait3A_25, %dma_wait3A_26] : memref<32x80x128xi32, #tpu.memory_space<hbm>> -> memref<1x80x128xi32, #tpu.memory_space<hbm>>
      %dma_wait3A_28 = tpu.memref_squeeze %dma_wait3A_27 : memref<1x80x128xi32, #tpu.memory_space<hbm>> -> memref<80x128xi32, #tpu.memory_space<hbm>>
      tpu.wait_dma2 semaphore(%run_scoped3A : memref<!tpu.dma_semaphore, #tpu.memory_space<semaphore_mem>>) src(%dma_wait3A_28 : memref<80x128xi32, #tpu.memory_space<hbm>>) dst(%arg7 : memref<80x128xi32, #tpu.memory_space<vmem>>)
      tpu.yield
    }) : () -> ()
    "tpu.region"() ({
      %run_scoped3A = tpu.sem_alloc : memref<!tpu.dma_semaphore, #tpu.memory_space<semaphore_mem>>
      %dma_start3A = arith.constant 0 : i32
      %dma_start3A_15 = arith.constant 0 : i32
      %dma_start3A_16 = tpu.memref_slice %arg5[%add3A, %dma_start3A, %dma_start3A_15] : memref<32x80x128xi32, #tpu.memory_space<hbm>> -> memref<1x80x128xi32, #tpu.memory_space<hbm>>
      %dma_start3A_17 = tpu.memref_squeeze %dma_start3A_16 : memref<1x80x128xi32, #tpu.memory_space<hbm>> -> memref<80x128xi32, #tpu.memory_space<hbm>>
      %dma_start3A_18 = arith.constant 0 : i32
      %dma_start3A_19 = arith.constant 0 : i32
      %dma_start3A_20 = tpu.memref_slice %arg5[%add3A, %dma_start3A_18, %dma_start3A_19] : memref<32x80x128xi32, #tpu.memory_space<hbm>> -> memref<1x80x128xi32, #tpu.memory_space<hbm>>
      %dma_start3A_21 = tpu.memref_squeeze %dma_start3A_20 : memref<1x80x128xi32, #tpu.memory_space<hbm>> -> memref<80x128xi32, #tpu.memory_space<hbm>>
      tpu.enqueue_dma source(%dma_start3A_21 : memref<80x128xi32, #tpu.memory_space<hbm>>) target(%arg8 : memref<80x128xi32, #tpu.memory_space<vmem>>) target_semaphore(%run_scoped3A : memref<!tpu.dma_semaphore, #tpu.memory_space<semaphore_mem>>)
      %dma_wait3A = arith.constant 0 : i32
      %dma_wait3A_22 = arith.constant 0 : i32
      %dma_wait3A_23 = tpu.memref_slice %arg5[%add3A, %dma_wait3A, %dma_wait3A_22] : memref<32x80x128xi32, #tpu.memory_space<hbm>> -> memref<1x80x128xi32, #tpu.memory_space<hbm>>
      %dma_wait3A_24 = tpu.memref_squeeze %dma_wait3A_23 : memref<1x80x128xi32, #tpu.memory_space<hbm>> -> memref<80x128xi32, #tpu.memory_space<hbm>>
      %dma_wait3A_25 = arith.constant 0 : i32
      %dma_wait3A_26 = arith.constant 0 : i32
      %dma_wait3A_27 = tpu.memref_slice %arg5[%add3A, %dma_wait3A_25, %dma_wait3A_26] : memref<32x80x128xi32, #tpu.memory_space<hbm>> -> memref<1x80x128xi32, #tpu.memory_space<hbm>>
      %dma_wait3A_28 = tpu.memref_squeeze %dma_wait3A_27 : memref<1x80x128xi32, #tpu.memory_space<hbm>> -> memref<80x128xi32, #tpu.memory_space<hbm>>
      tpu.wait_dma2 semaphore(%run_scoped3A : memref<!tpu.dma_semaphore, #tpu.memory_space<semaphore_mem>>) src(%dma_wait3A_28 : memref<80x128xi32, #tpu.memory_space<hbm>>) dst(%arg8 : memref<80x128xi32, #tpu.memory_space<vmem>>)
      tpu.yield
    }) : () -> ()
    %barrier3A = arith.constant 0 : index
    tpu.barrier barrier_id(%barrier3A)
    %scan3A = arith.constant 0 : i32
    %scan3A_5 = arith.constant 0 : i32
    %scan3A_6 = arith.constant 80 : i32
    %scan3A_7 = arith.addi %scan3A_5, %scan3A_6 : i32
    %scan3A_8 = arith.constant 1 : i32
    scf.for %scan3A_15 = %scan3A_5 to %scan3A_7 step %scan3A_8  : i32 {
      %dma_start3A = arith.constant 0 : i32
      %dma_start3A_16 = tpu.memref_slice %arg7[%scan3A_15, %dma_start3A] : memref<80x128xi32, #tpu.memory_space<vmem>> -> memref<1x128xi32, #tpu.memory_space<vmem>>
      %dma_start3A_17 = tpu.memref_squeeze %dma_start3A_16 : memref<1x128xi32, #tpu.memory_space<vmem>> -> memref<128xi32, #tpu.memory_space<vmem>>
      %dma_start3A_18 = arith.constant 0 : i32
      %dma_start3A_19 = arith.constant 0 : i32
      %dma_start3A_20 = tpu.memref_slice %arg3[%dma_start3A_18, %dma_start3A_19] : memref<10000x128xf32, #tpu.memory_space<hbm>> -> memref<10000x128xf32, #tpu.memory_space<hbm>>
      tpu.enqueue_indirect_dma source(%dma_start3A_20 : memref<10000x128xf32, #tpu.memory_space<hbm>>) target(%arg9 : memref<128x128xf32, #tpu.memory_space<vmem>>) offsets(%dma_start3A_17 : memref<128xi32, #tpu.memory_space<vmem>>) semaphore(%arg11 : memref<!tpu.dma_semaphore, #tpu.memory_space<semaphore_mem>>)
      %dma_wait3A = arith.constant 0 : i32
      %dma_wait3A_21 = tpu.memref_slice %arg7[%scan3A_15, %dma_wait3A] : memref<80x128xi32, #tpu.memory_space<vmem>> -> memref<1x128xi32, #tpu.memory_space<vmem>>
      %dma_wait3A_22 = tpu.memref_squeeze %dma_wait3A_21 : memref<1x128xi32, #tpu.memory_space<vmem>> -> memref<128xi32, #tpu.memory_space<vmem>>
      %dma_wait3A_23 = arith.constant 0 : i32
      %dma_wait3A_24 = arith.constant 0 : i32
      %dma_wait3A_25 = tpu.memref_slice %arg3[%dma_wait3A_23, %dma_wait3A_24] : memref<10000x128xf32, #tpu.memory_space<hbm>> -> memref<10000x128xf32, #tpu.memory_space<hbm>>
      tpu.wait_indirect_dma semaphore(%arg11 : memref<!tpu.dma_semaphore, #tpu.memory_space<semaphore_mem>>) src(%dma_wait3A_25 : memref<10000x128xf32, #tpu.memory_space<hbm>>) dst(%arg9 : memref<128x128xf32, #tpu.memory_space<vmem>>)
      "tpu.region"() ({
        %run_scoped3A = tpu.sem_alloc : memref<!tpu.dma_semaphore, #tpu.memory_space<semaphore_mem>>
        %dma_start3A_26 = arith.constant 0 : i32
        %dma_start3A_27 = tpu.memref_slice %arg8[%scan3A_15, %dma_start3A_26] : memref<80x128xi32, #tpu.memory_space<vmem>> -> memref<1x128xi32, #tpu.memory_space<vmem>>
        %dma_start3A_28 = tpu.memref_squeeze %dma_start3A_27 : memref<1x128xi32, #tpu.memory_space<vmem>> -> memref<128xi32, #tpu.memory_space<vmem>>
        %dma_start3A_29 = arith.constant 0 : i32
        %dma_start3A_30 = arith.constant 0 : i32
        %dma_start3A_31 = tpu.memref_slice %arg10[%dma_start3A_29, %dma_start3A_30] : memref<10240x128xf32, #tpu.memory_space<vmem_shared>> -> memref<10240x128xf32, #tpu.memory_space<vmem_shared>>
        tpu.enqueue_indirect_dma source(%arg9 : memref<128x128xf32, #tpu.memory_space<vmem>>) target(%dma_start3A_31 : memref<10240x128xf32, #tpu.memory_space<vmem_shared>>) offsets(%dma_start3A_28 : memref<128xi32, #tpu.memory_space<vmem>>) semaphore(%run_scoped3A : memref<!tpu.dma_semaphore, #tpu.memory_space<semaphore_mem>>) {add = true}
        %dma_wait3A_32 = arith.constant 0 : i32
        %dma_wait3A_33 = tpu.memref_slice %arg8[%scan3A_15, %dma_wait3A_32] : memref<80x128xi32, #tpu.memory_space<vmem>> -> memref<1x128xi32, #tpu.memory_space<vmem>>
        %dma_wait3A_34 = tpu.memref_squeeze %dma_wait3A_33 : memref<1x128xi32, #tpu.memory_space<vmem>> -> memref<128xi32, #tpu.memory_space<vmem>>
        %dma_wait3A_35 = arith.constant 0 : i32
        %dma_wait3A_36 = arith.constant 0 : i32
        %dma_wait3A_37 = tpu.memref_slice %arg10[%dma_wait3A_35, %dma_wait3A_36] : memref<10240x128xf32, #tpu.memory_space<vmem_shared>> -> memref<10240x128xf32, #tpu.memory_space<vmem_shared>>
        tpu.wait_indirect_dma semaphore(%run_scoped3A : memref<!tpu.dma_semaphore, #tpu.memory_space<semaphore_mem>>) src(%arg9 : memref<128x128xf32, #tpu.memory_space<vmem>>) dst(%dma_wait3A_37 : memref<10240x128xf32, #tpu.memory_space<vmem_shared>>)
        tpu.yield
      }) : () -> ()
    }
    %scan3A_9 = arith.constant 80 : i32
    %barrier3A_10 = arith.constant 0 : index
    tpu.barrier barrier_id(%barrier3A_10)
    %mul3A_11 = arith.constant 640 : i32
    %mul3A_12 = arith.muli %arg1, %mul3A_11 : i32
    %mul3A_13 = arith.constant 640 : i32
    %mul3A_14 = arith.muli %arg1, %mul3A_13 : i32
    "tpu.region"() ({
      %run_scoped3A = tpu.sem_alloc : memref<!tpu.dma_semaphore, #tpu.memory_space<semaphore_mem>>
      %dma_start3A = arith.constant 0 : i32
      %dma_start3A_15 = tpu.memref_slice %arg6[%arg0, %mul3A_14, %dma_start3A] : memref<2x10240x128xf32, #tpu.memory_space<hbm>> -> memref<1x640x128xf32, #tpu.memory_space<hbm>>
      %dma_start3A_16 = tpu.memref_squeeze %dma_start3A_15 : memref<1x640x128xf32, #tpu.memory_space<hbm>> -> memref<640x128xf32, #tpu.memory_space<hbm>>
      %dma_start3A_17 = arith.constant 0 : i32
      %dma_start3A_18 = tpu.memref_slice %arg10[%mul3A_12, %dma_start3A_17] : memref<10240x128xf32, #tpu.memory_space<vmem_shared>> -> memref<640x128xf32, #tpu.memory_space<vmem_shared>>
      tpu.enqueue_dma source(%dma_start3A_18 : memref<640x128xf32, #tpu.memory_space<vmem_shared>>) target(%dma_start3A_16 : memref<640x128xf32, #tpu.memory_space<hbm>>) target_semaphore(%run_scoped3A : memref<!tpu.dma_semaphore, #tpu.memory_space<semaphore_mem>>)
      %dma_wait3A = arith.constant 0 : i32
      %dma_wait3A_19 = tpu.memref_slice %arg6[%arg0, %mul3A_14, %dma_wait3A] : memref<2x10240x128xf32, #tpu.memory_space<hbm>> -> memref<1x640x128xf32, #tpu.memory_space<hbm>>
      %dma_wait3A_20 = tpu.memref_squeeze %dma_wait3A_19 : memref<1x640x128xf32, #tpu.memory_space<hbm>> -> memref<640x128xf32, #tpu.memory_space<hbm>>
      %dma_wait3A_21 = arith.constant 0 : i32
      %dma_wait3A_22 = tpu.memref_slice %arg10[%mul3A_12, %dma_wait3A_21] : memref<10240x128xf32, #tpu.memory_space<vmem_shared>> -> memref<640x128xf32, #tpu.memory_space<vmem_shared>>
      tpu.wait_dma2 semaphore(%run_scoped3A : memref<!tpu.dma_semaphore, #tpu.memory_space<semaphore_mem>>) src(%dma_wait3A_22 : memref<640x128xf32, #tpu.memory_space<vmem_shared>>) dst(%dma_wait3A_20 : memref<640x128xf32, #tpu.memory_space<hbm>>)
      tpu.yield
    }) : () -> ()
    return
  }
}

module attributes {stable_mosaic.version = 14 : i64} {
  func.func @_mm_kernel(%arg0: i32, %arg1: memref<1000x128xf32, #tpu.memory_space<vmem>>, %arg2: memref<128x128xf32, #tpu.memory_space<vmem>>, %arg3: memref<1000x128xf32, #tpu.memory_space<vmem>>) attributes {dimension_semantics = [#tpu.dimension_semantics<arbitrary>], iteration_bounds = array<i64: 10>, scalar_prefetch = 0 : i64, scratch_operands = 0 : i64, tpu.core_type = #tpu.core_type<tc>, window_params = [{transform_indices = @transform_0, window_bounds = array<i64: 1000, 128>}, {pipeline_mode = #tpu.pipeline_mode<synchronous>, transform_indices = @transform_1, window_bounds = array<i64: 128, 128>}, {transform_indices = @transform_2, window_bounds = array<i64: 1000, 128>}]} {
    %get3A = arith.constant 0 : index
    %get3A_0 = arith.constant 0 : index
    %get3A_1 = vector.load %arg1[%get3A, %get3A_0] : memref<1000x128xf32, #tpu.memory_space<vmem>>, vector<1000x128xf32>
    %get3A_2 = arith.constant 0 : index
    %get3A_3 = arith.constant 0 : index
    %get3A_4 = vector.load %arg2[%get3A_2, %get3A_3] : memref<128x128xf32, #tpu.memory_space<vmem>>, vector<128x128xf32>
    %dot_general3A = arith.constant dense<0.000000e+00> : vector<1000x128xf32>
    %dot_general3A_5 = tpu.matmul %get3A_1, %get3A_4, %dot_general3A {dimension_numbers = #tpu.dot_dimension_numbers<[1], [0], [0], [1], [0, 0, 1, 1], [], []>, transpose_lhs_hint = false} : vector<1000x128xf32>, vector<128x128xf32>, vector<1000x128xf32> -> vector<1000x128xf32>
    %swap3A = arith.constant 0 : index
    %swap3A_6 = arith.constant 0 : index
    %swap3A_7 = vector.load %arg3[%swap3A, %swap3A_6] : memref<1000x128xf32, #tpu.memory_space<vmem>>, vector<1000x128xf32>
    tpu.vector_store %arg3[%swap3A, %swap3A_6], %dot_general3A_5 {strides = array<i32>} : memref<1000x128xf32, #tpu.memory_space<vmem>>, vector<1000x128xf32>,
    return
  }
  func.func @transform_0(%arg0: i32) -> (i32, i32) {
    %c0_i32 = arith.constant 0 : i32
    %c0_i32_0 = arith.constant 0 : i32
    return %arg0, %c0_i32 : i32, i32
  }
  func.func @transform_1(%arg0: i32) -> (i32, i32) {
    %c0_i32 = arith.constant 0 : i32
    %c0_i32_0 = arith.constant 0 : i32
    %c0_i32_1 = arith.constant 0 : i32
    return %c0_i32, %c0_i32_0 : i32, i32
  }
  func.func @transform_2(%arg0: i32) -> (i32, i32) {
    %c0_i32 = arith.constant 0 : i32
    %c0_i32_0 = arith.constant 0 : i32
    return %arg0, %c0_i32 : i32, i32
  }
}

module attributes {stable_mosaic.version = 14 : i64} {
  func.func @_comb_mm_kernel(%arg0: i32, %arg1: memref<2x1000x128xf32, #tpu.memory_space<vmem>>, %arg2: memref<1x128xf32, #tpu.memory_space<vmem>>, %arg3: memref<128x128xf32, #tpu.memory_space<vmem>>, %arg4: memref<1000x128xf32, #tpu.memory_space<vmem>>) attributes {dimension_semantics = [#tpu.dimension_semantics<arbitrary>], iteration_bounds = array<i64: 10>, scalar_prefetch = 0 : i64, scratch_operands = 0 : i64, tpu.core_type = #tpu.core_type<tc>, window_params = [{transform_indices = @transform_0, window_bounds = array<i64: 2, 1000, 128>}, {pipeline_mode = #tpu.pipeline_mode<synchronous>, transform_indices = @transform_1, window_bounds = array<i64: 1, 128>}, {pipeline_mode = #tpu.pipeline_mode<synchronous>, transform_indices = @transform_2, window_bounds = array<i64: 128, 128>}, {transform_indices = @transform_3, window_bounds = array<i64: 1000, 128>}]} {
    %get3A = arith.constant 0 : index
    %get3A_0 = arith.constant 0 : index
    %get3A_1 = arith.constant 0 : index
    %get3A_2 = vector.load %arg1[%get3A, %get3A_0, %get3A_1] : memref<2x1000x128xf32, #tpu.memory_space<vmem>>, vector<1x1000x128xf32>
    %get3A_3 = vector.shape_cast %get3A_2 : vector<1x1000x128xf32> to vector<1000x128xf32>
    %get3A_4 = arith.constant 1 : index
    %get3A_5 = arith.constant 0 : index
    %get3A_6 = arith.constant 0 : index
    %get3A_7 = vector.load %arg1[%get3A_4, %get3A_5, %get3A_6] : memref<2x1000x128xf32, #tpu.memory_space<vmem>>, vector<1x1000x128xf32>
    %get3A_8 = vector.shape_cast %get3A_7 : vector<1x1000x128xf32> to vector<1000x128xf32>
    %add3A = arith.addf %get3A_3, %get3A_8 : vector<1000x128xf32>
    %get3A_9 = arith.constant 0 : index
    %get3A_10 = arith.constant 0 : index
    %get3A_11 = vector.load %arg2[%get3A_9, %get3A_10] : memref<1x128xf32, #tpu.memory_space<vmem>>, vector<1x128xf32>
    %add3A_12 = vector.broadcast %get3A_11 : vector<1x128xf32> to vector<1000x128xf32>
    %add3A_13 = arith.addf %add3A, %add3A_12 : vector<1000x128xf32>
    %max3A = arith.constant 0.000000e+00 : f32
    %max3A_14 = vector.broadcast %max3A : f32 to vector<1000x128xf32>
    %max3A_15 = arith.maximumf %add3A_13, %max3A_14 : vector<1000x128xf32>
    %get3A_16 = arith.constant 0 : index
    %get3A_17 = arith.constant 0 : index
    %get3A_18 = vector.load %arg3[%get3A_16, %get3A_17] : memref<128x128xf32, #tpu.memory_space<vmem>>, vector<128x128xf32>
    %dot_general3A = arith.constant dense<0.000000e+00> : vector<1000x128xf32>
    %dot_general3A_19 = tpu.matmul %max3A_15, %get3A_18, %dot_general3A {dimension_numbers = #tpu.dot_dimension_numbers<[1], [0], [0], [1], [0, 0, 1, 1], [], []>, transpose_lhs_hint = false} : vector<1000x128xf32>, vector<128x128xf32>, vector<1000x128xf32> -> vector<1000x128xf32>
    %swap3A = arith.constant 0 : index
    %swap3A_20 = arith.constant 0 : index
    %swap3A_21 = vector.load %arg4[%swap3A, %swap3A_20] : memref<1000x128xf32, #tpu.memory_space<vmem>>, vector<1000x128xf32>
    tpu.vector_store %arg4[%swap3A, %swap3A_20], %dot_general3A_19 {strides = array<i32>} : memref<1000x128xf32, #tpu.memory_space<vmem>>, vector<1000x128xf32>,
    return
  }
  func.func @transform_0(%arg0: i32) -> (i32, i32, i32) {
    %c0_i32 = arith.constant 0 : i32
    %c0_i32_0 = arith.constant 0 : i32
    %c0_i32_1 = arith.constant 0 : i32
    return %c0_i32, %arg0, %c0_i32_0 : i32, i32, i32
  }
  func.func @transform_1(%arg0: i32) -> (i32, i32) {
    %c0_i32 = arith.constant 0 : i32
    %c0_i32_0 = arith.constant 0 : i32
    %c0_i32_1 = arith.constant 0 : i32
    return %c0_i32, %c0_i32_0 : i32, i32
  }
  func.func @transform_2(%arg0: i32) -> (i32, i32) {
    %c0_i32 = arith.constant 0 : i32
    %c0_i32_0 = arith.constant 0 : i32
    %c0_i32_1 = arith.constant 0 : i32
    return %c0_i32, %c0_i32_0 : i32, i32
  }
  func.func @transform_3(%arg0: i32) -> (i32, i32) {
    %c0_i32 = arith.constant 0 : i32
    %c0_i32_0 = arith.constant 0 : i32
    return %arg0, %c0_i32 : i32, i32
  }
}

module attributes {stable_mosaic.version = 14 : i64} {
  func.func @_final_kernel(%arg0: i32, %arg1: memref<2x1000x128xf32, #tpu.memory_space<vmem>>, %arg2: memref<1x128xf32, #tpu.memory_space<vmem>>, %arg3: memref<128x16xf32, #tpu.memory_space<vmem>>, %arg4: memref<1x16xf32, #tpu.memory_space<vmem>>, %arg5: memref<1000x16xf32, #tpu.memory_space<vmem>>) attributes {dimension_semantics = [#tpu.dimension_semantics<arbitrary>], iteration_bounds = array<i64: 10>, scalar_prefetch = 0 : i64, scratch_operands = 0 : i64, tpu.core_type = #tpu.core_type<tc>, window_params = [{transform_indices = @transform_0, window_bounds = array<i64: 2, 1000, 128>}, {pipeline_mode = #tpu.pipeline_mode<synchronous>, transform_indices = @transform_1, window_bounds = array<i64: 1, 128>}, {pipeline_mode = #tpu.pipeline_mode<synchronous>, transform_indices = @transform_2, window_bounds = array<i64: 128, 16>}, {pipeline_mode = #tpu.pipeline_mode<synchronous>, transform_indices = @transform_3, window_bounds = array<i64: 1, 16>}, {transform_indices = @transform_4, window_bounds = array<i64: 1000, 16>}]} {
    %get3A = arith.constant 0 : index
    %get3A_0 = arith.constant 0 : index
    %get3A_1 = arith.constant 0 : index
    %get3A_2 = vector.load %arg1[%get3A, %get3A_0, %get3A_1] : memref<2x1000x128xf32, #tpu.memory_space<vmem>>, vector<1x1000x128xf32>
    %get3A_3 = vector.shape_cast %get3A_2 : vector<1x1000x128xf32> to vector<1000x128xf32>
    %get3A_4 = arith.constant 1 : index
    %get3A_5 = arith.constant 0 : index
    %get3A_6 = arith.constant 0 : index
    %get3A_7 = vector.load %arg1[%get3A_4, %get3A_5, %get3A_6] : memref<2x1000x128xf32, #tpu.memory_space<vmem>>, vector<1x1000x128xf32>
    %get3A_8 = vector.shape_cast %get3A_7 : vector<1x1000x128xf32> to vector<1000x128xf32>
    %add3A = arith.addf %get3A_3, %get3A_8 : vector<1000x128xf32>
    %get3A_9 = arith.constant 0 : index
    %get3A_10 = arith.constant 0 : index
    %get3A_11 = vector.load %arg2[%get3A_9, %get3A_10] : memref<1x128xf32, #tpu.memory_space<vmem>>, vector<1x128xf32>
    %add3A_12 = vector.broadcast %get3A_11 : vector<1x128xf32> to vector<1000x128xf32>
    %add3A_13 = arith.addf %add3A, %add3A_12 : vector<1000x128xf32>
    %max3A = arith.constant 0.000000e+00 : f32
    %max3A_14 = vector.broadcast %max3A : f32 to vector<1000x128xf32>
    %max3A_15 = arith.maximumf %add3A_13, %max3A_14 : vector<1000x128xf32>
    %get3A_16 = arith.constant 0 : index
    %get3A_17 = arith.constant 0 : index
    %get3A_18 = vector.load %arg3[%get3A_16, %get3A_17] : memref<128x16xf32, #tpu.memory_space<vmem>>, vector<128x16xf32>
    %dot_general3A = arith.constant dense<0.000000e+00> : vector<1000x16xf32>
    %dot_general3A_19 = tpu.matmul %max3A_15, %get3A_18, %dot_general3A {dimension_numbers = #tpu.dot_dimension_numbers<[1], [0], [0], [1], [0, 0, 1, 1], [], []>, transpose_lhs_hint = false} : vector<1000x128xf32>, vector<128x16xf32>, vector<1000x16xf32> -> vector<1000x16xf32>
    %get3A_20 = arith.constant 0 : index
    %get3A_21 = arith.constant 0 : index
    %get3A_22 = vector.load %arg4[%get3A_20, %get3A_21] : memref<1x16xf32, #tpu.memory_space<vmem>>, vector<1x16xf32>
    %add3A_23 = vector.broadcast %get3A_22 : vector<1x16xf32> to vector<1000x16xf32>
    %add3A_24 = arith.addf %dot_general3A_19, %add3A_23 : vector<1000x16xf32>
    %reduce_max3A = arith.constant dense<0xFF800000> : vector<1000xf32>
    %reduce_max3A_25 = vector.multi_reduction <maximumf>, %add3A_24, %reduce_max3A [1] : vector<1000x16xf32> to vector<1000xf32>
    %broadcast_in_dim3A = vector.shape_cast %reduce_max3A_25 : vector<1000xf32> to vector<1000x1xf32>
    %sub3A = vector.broadcast %broadcast_in_dim3A : vector<1000x1xf32> to vector<1000x16xf32>
    %sub3A_26 = arith.subf %add3A_24, %sub3A : vector<1000x16xf32>
    %exp3A = math.exp %sub3A_26 : vector<1000x16xf32>
    %reduce_sum3A = arith.constant dense<0.000000e+00> : vector<1000xf32>
    %reduce_sum3A_27 = vector.multi_reduction <add>, %exp3A, %reduce_sum3A [1] : vector<1000x16xf32> to vector<1000xf32>
    %broadcast_in_dim3A_28 = vector.shape_cast %reduce_sum3A_27 : vector<1000xf32> to vector<1000x1xf32>
    %log3A = math.log %broadcast_in_dim3A_28 : vector<1000x1xf32>
    %sub3A_29 = vector.broadcast %log3A : vector<1000x1xf32> to vector<1000x16xf32>
    %sub3A_30 = arith.subf %sub3A_26, %sub3A_29 : vector<1000x16xf32>
    %swap3A = arith.constant 0 : index
    %swap3A_31 = arith.constant 0 : index
    %swap3A_32 = vector.load %arg5[%swap3A, %swap3A_31] : memref<1000x16xf32, #tpu.memory_space<vmem>>, vector<1000x16xf32>
    tpu.vector_store %arg5[%swap3A, %swap3A_31], %sub3A_30 {strides = array<i32>} : memref<1000x16xf32, #tpu.memory_space<vmem>>, vector<1000x16xf32>,
    return
  }
  func.func @transform_0(%arg0: i32) -> (i32, i32, i32) {
    %c0_i32 = arith.constant 0 : i32
    %c0_i32_0 = arith.constant 0 : i32
    %c0_i32_1 = arith.constant 0 : i32
    return %c0_i32, %arg0, %c0_i32_0 : i32, i32, i32
  }
  func.func @transform_1(%arg0: i32) -> (i32, i32) {
    %c0_i32 = arith.constant 0 : i32
    %c0_i32_0 = arith.constant 0 : i32
    %c0_i32_1 = arith.constant 0 : i32
    return %c0_i32, %c0_i32_0 : i32, i32
  }
  func.func @transform_2(%arg0: i32) -> (i32, i32) {
    %c0_i32 = arith.constant 0 : i32
    %c0_i32_0 = arith.constant 0 : i32
    %c0_i32_1 = arith.constant 0 : i32
    return %c0_i32, %c0_i32_0 : i32, i32
  }
  func.func @transform_3(%arg0: i32) -> (i32, i32) {
    %c0_i32 = arith.constant 0 : i32
    %c0_i32_0 = arith.constant 0 : i32
    %c0_i32_1 = arith.constant 0 : i32
    return %c0_i32, %c0_i32_0 : i32, i32
  }
  func.func @transform_4(%arg0: i32) -> (i32, i32) {
    %c0_i32 = arith.constant 0 : i32
    %c0_i32_0 = arith.constant 0 : i32
    return %arg0, %c0_i32 : i32, i32
  }
}

</mosaic_0001>

<sc_bundles>
// kernel: kernel.10.cloned.1.call-start
scs
__scs_entry_jumppad:
0x0: {  	(pc) =	sbr.rel $0x88, $3  }
0x1: {  	(tag) =	ssettag $0x0;
	lr =	simm.s32 $0x1  }
0x2: {  	[smem:$0x3F99] =	sst lr;
	_ =	strace $0xD0000000  }
0x3: {  	_ = 	snop  }
0x4: {  	_ = 	snop  }
0x5: {  	_ = 	snop  }
0x6: {  	_ = 	snop  }
0x7: {  	_ = 	snop  }
__scs_overlays_trampoline_lowered:
0x8: {  	[smem:$0x3FA8] =	sst s0  }
0x9: {  	[smem:$0x3FA9] =	sst s1  }
0xa: {  	[smem:$0x3FAA] =	sst s2  }
0xb: {  	[smem:$0x3FAB] =	sst s3  }
0xc: {  	[smem:$0x3FAC] =	sst s4  }
0xd: {  	[smem:$0x3FAD] =	sst s5  }
0xe: {  	[smem:$0x3FAE] =	sst s6  }
0xf: {  	[smem:$0x3FAF] =	sst s7  }
0x10: {  	[smem:$0x3FB0] =	sst s8  }
0x11: {  	[smem:$0x3FB1] =	sst s9;
	s0 =	simm.s32 @!p0 $0x0  }
0x12: {  	s1 =	sld [smem:$0x3F97];
	s0 =	simm.s32 @p0 $0x1  }
0x13: {  	[smem:$0x3FB2] =	sst s0;
	s0 =	simm.s32 @!p1 $0x0  }
0x14: {  	s2 =	sld [smem:$0x3F96];
	s0 =	simm.s32 @p1 $0x1  }
0x15: {  	[smem:$0x3FB3] =	sst s0;
	s0 =	simm.s32 @!p2 $0x0  }
0x16: {  	s3 =	sld [smem:$0x3FDB];
	s0 =	simm.s32 @p2 $0x1  }
0x17: {  	s4 =	simm.s32 $0x1BF5;
	[smem:$0x3FB5] =	sst s0  }
0x18: {  	s0 =	sld [smem:$0x3F98];
	_ =	swait.ge [sflag:s4], $0x0  }
0x19: {  	s7 =	sld [smem:$0x3F99]  }
0x1a: {  	s8 =	sadd.s32 $0xFFFFE003, lr  }
0x1b: {  	s9 =	sadd.s32 $0xFFFFFEF7, lr;
	s5 =	simm.s32 $0xFFFFFFFF;
	p2 =	slt.u32 s8, $0xFFFFF086  }
0x1c: {  	p1 =	slt.u32 s9, $0xF7A;
	s5 =	simm.s32 @!p2 $0x0  }
0x1d: {  	s5 =	simm.s32 @p1 $0x1;
	p0 =	seq.s32 s7, s2  }
0x1e: {  	s7 =	smul.u32 @!p0 $0xF7A, s2;
	p2 =	seq.s32 @!p0 s5, $0x0  }
0x1f: {  	s9 =	smul.u32 $0xF7A, s1;
	s8 =	simm.s32 @!p0 $0x1BF5;
	p2 =	por !p2, p0  }
0x20: {  	[sflag:s8] =	ssyncset.s32 @!p0 $0xFFFFF086;
	s6 =	sadd.s32 @!p0 s3, s7;
	s7 =	simm.s32 @!p0 $0x108  }
0x21: {  	s3 =	sadd.s32 s3, s9;
	s6 =	sadd.s32 @!p0 $0x88, s6;
	s7 =	simm.s32 @p2 $0x1082  }
0x22: {  	[simem:s7], [sflag:s8] =	dma.local @!p0 [hbm:s6], $0xF7A  }
0x23: {  	s9 =	sor.u32 $0xD0000000, s2;
	s6 =	simm.s32 $0x108;
	_ =	swait.ge @!p0 [sflag:s8], $0x0  }
0x24: {  	s3 =	sadd.s32 $0x88, s3;
	s6 =	simm.s32 @!p1 $0x1082;
	[sflag:s4] =	ssyncset.s32 $0xFFFFF086  }
0x25: {  	[simem:s6], [sflag:s4] =	dma.local [hbm:s3], $0xF7A  }
0x26: {  	[smem:$0x3F99] =	sst s1;
	(tag) =	ssettag s2;
	_ =	strace s9  }
0x27: {  	s1 =	sld [smem:$0x3FA9]  }
0x28: {  	s2 =	sld [smem:$0x3FAA]  }
0x29: {  	s4 =	sld [smem:$0x3FAC]  }
0x2a: {  	p0 =	seq.s32 s5, $0x0;
	s5 =	sld [smem:$0x3FAD]  }
0x2b: {  	s6 =	sld [smem:$0x3FAE]  }
0x2c: {  	s7 =	sld [smem:$0x3FAF]  }
0x2d: {  	s3 =	simm.s32 $0x108;
	s8 =	sld [smem:$0x3FB0]  }
0x2e: {  	s3 =	simm.s32 @!p0 $0x1082;
	s9 =	sld [smem:$0x3FB1]  }
0x2f: {  	lr =	sadd.s32 s0, s3;
	s0 =	sld [smem:$0x3FA8]  }
0x30: {  	s3 =	sld [smem:$0x3FAB]  }
0x31: {  	[smem:$0x3FB4] =	sst s10  }
0x32: {  	s10 =	sld [smem:$0x3FB2];
	_ =	sdelay $0x3  }
0x33: {  	p0 =	seq.s32 s10, $0x1;
	s10 =	sld [smem:$0x3FB4];
	_ =	sdelay $0x3  }
0x34: {  	[smem:$0x3FB4] =	sst s10  }
0x35: {  	s10 =	sld [smem:$0x3FB3];
	_ =	sdelay $0x3  }
0x36: {  	p1 =	seq.s32 s10, $0x1;
	s10 =	sld [smem:$0x3FB4];
	_ =	sdelay $0x3  }
0x37: {  	[smem:$0x3FB4] =	sst s10  }
0x38: {  	s10 =	sld [smem:$0x3FB5]  }
0x39: {  	_ = 	snop;
	(pc) =	sbr.ind lr, $3  }
0x3a: {  	_ = 	snop  }
0x3b: {  	_ = 	snop  }
0x3c: {  	p2 =	seq.s32 s10, $0x1;
	s10 =	sld [smem:$0x3FB4]  }
0x3d: {  	_ =	shalt  }
0x3e: {  	_ =	shalt  }
0x3f: {  	_ =	shalt  }
0x40: {  	_ =	shalt  }
0x41: {  	_ =	shalt  }
0x42: {  	_ =	shalt  }
0x43: {  	_ =	shalt  }
0x44: {  	_ =	shalt  }
0x45: {  	_ =	shalt  }
0x46: {  	_ =	shalt  }
0x47: {  	_ =	shalt  }
0x48: {  	_ =	shalt  }
0x49: {  	_ =	shalt  }
0x4a: {  	_ =	shalt  }
0x4b: {  	_ =	shalt  }
0x4c: {  	_ =	shalt  }
0x4d: {  	_ =	shalt  }
0x4e: {  	_ =	shalt  }
0x4f: {  	_ =	shalt  }
0x50: {  	_ =	shalt  }
0x51: {  	_ =	shalt  }
0x52: {  	_ =	shalt  }
0x53: {  	_ =	shalt  }
0x54: {  	_ =	shalt  }
0x55: {  	_ =	shalt  }
0x56: {  	_ =	shalt  }
0x57: {  	_ =	shalt  }
0x58: {  	_ =	shalt  }
0x59: {  	_ =	shalt  }
0x5a: {  	_ =	shalt  }
0x5b: {  	_ =	shalt  }
0x5c: {  	_ =	shalt  }
0x5d: {  	_ =	shalt  }
0x5e: {  	_ =	shalt  }
0x5f: {  	_ =	shalt  }
0x60: {  	_ =	shalt  }
0x61: {  	_ =	shalt  }
0x62: {  	_ =	shalt  }
0x63: {  	_ =	shalt  }
0x64: {  	_ =	shalt  }
0x65: {  	_ =	shalt  }
0x66: {  	_ =	shalt  }
0x67: {  	_ =	shalt  }
0x68: {  	_ =	shalt  }
0x69: {  	_ =	shalt  }
0x6a: {  	_ =	shalt  }
0x6b: {  	_ =	shalt  }
0x6c: {  	_ =	shalt  }
0x6d: {  	_ =	shalt  }
0x6e: {  	_ =	shalt  }
0x6f: {  	_ =	shalt  }
0x70: {  	_ =	shalt  }
0x71: {  	_ =	shalt  }
0x72: {  	_ =	shalt  }
0x73: {  	_ =	shalt  }
0x74: {  	_ =	shalt  }
0x75: {  	_ =	shalt  }
0x76: {  	_ =	shalt  }
0x77: {  	_ =	shalt  }
0x78: {  	_ =	shalt  }
0x79: {  	_ =	shalt  }
0x7a: {  	_ =	shalt  }
0x7b: {  	_ =	shalt  }
0x7c: {  	_ =	shalt  }
0x7d: {  	_ =	shalt  }
0x7e: {  	_ =	shalt  }
0x7f: {  	_ =	shalt  }
0x80: {  	_ =	shalt  }
0x81: {  	_ =	shalt  }
0x82: {  	_ =	shalt  }
0x83: {  	_ =	shalt  }
0x84: {  	_ =	shalt  }
0x85: {  	_ =	shalt  }
0x86: {  	_ =	shalt  }
0x87: {  	_ =	shalt  }
.Lfunc_end0:
.L_simem_size_0:
called_computation.1_lowered:
.L_overlay_start_0:
0x88: {  	s2 =	sld [smem:$0x3FD9]  }
0x89: {  	s3 =	sld [smem:$0x3FFE];
	_ =	sdelay $0x1  }
0x8a: {  	s1 =	srdreg.scid  }
0x8b: {  	s0 =	sand.u32 $0x1, s1  }
0x8c: {  	s16 =	sshll.u32 s0, $0xA;
	s2 =	sadd.s32 s3, s2  }
0x8d: {  	s2 =	sadd.s32 s2, s16  }
0x8e: {  	[smem:$0x3FC0] =	sst s2  }
0x8f: {  	_ = 	snop  }
0x90: {  	(tm) =	ssettm $0x1  }
0x91: {  	s17 =	sld [smem:$0x3FFB];
	_ =	sdelay $0x3  }
0x92: {  	_ =	strace s17  }
0x93: {  	s2 =	sld [smem:$0x3FFC];
	_ =	sdelay $0x3  }
0x94: {  	_ =	strace s2  }
0x95: {  	s2 =	sld [smem:$0x3FFD];
	_ =	sdelay $0x3  }
0x96: {  	_ =	strace s2  }
0x97: {  	_ =	strace $0x8FFFFFFF  }
0x98: {  	s18 =	sld [smem:$0x3FDB];
	_ =	sdelay $0x1  }
0x99: {  	s19 =	simm.s32 $_scs_section_size  }
0x9a: {  	s4 =	simm.s32 $_size__tile_overlayer_lowered;
	s5 =	simm.s32 $_tile_overlayer_lowered  }
0x9b: {  	s22 =	simm.s32 $0x1BFF;
	s21 =	sshll.u32 s5, $0x1;
	s2 =	sadd.s32 s19, s18  }
0x9c: {  	s6 =	simm.s32 $0x0;
	s20 =	sshll.u32 s4, $0x1;
	s4 =	sadd.s32 s21, s2  }
0x9d: {  	[timem:s6], [sflag:s22] =	dma.local [hbm:s4], s20  }
0x9e: {  	_ =	swait.ge [sflag:s22], s20  }
0x9f: {  	s3 =	ssub.s32 $0x0, s20;
	[sflag:s22] =	ssyncset.done $0x0  }
0xa0: {  	[sflag:s22] =	ssyncadd.s32 s3;
	_ =	sdelay $0x1  }
0xa1: {  	s23 =	simm.s32 $0x1B8B  }
0xa2: {  	_ =	swait.ge [sflag:s23], $0x1  }
0xa3: {  	[sflag:s23] =	ssyncset.done $0x0  }
0xa4: {  	s25 =	simm.s32 $0x1B8E;
	s24 =	sld [smem:$0x3FFE];
	[sflag:s23] =	ssyncadd.s32 $0xFFFFFFFF  }
0xa5: {  	s26 =	simm.s32 $execute0_lowered;
	[smem:$0x3FD2] =	sst s25  }
0xa6: {  	s4 =	sshll.u32 s26, $0x1;
	_ =	strace $0x80000049;
	[dreg:$0x1] =	wrdreg $0xFFFFFFFF  }
0xa7: {  	s28 =	simm.s32 $_size_execute0_lowered;
	s2 =	sadd.s32 s2, s4;
	[dreg:$0x0] =	wrdreg $0x0  }
0xa8: {  	s4 =	sshll.u32 s28, $0x1;
	[dreg:$0x2] =	wrdreg s2  }
0xa9: {  	[dreg:$0x3] =	wrdreg s4  }
0xaa: {  	[dreg:$0x4] =	wrdreg $0xC0  }
0xab: {  	_ =	task [dreg:s6], $0x5FFFF  }
0xac: {  	[dreg:$0x1] =	wrdreg $0xFFFFFFFF  }
0xad: {  	[dreg:$0x0] =	wrdreg $0x60  }
0xae: {  	[dreg:$0x2] =	wrdreg s24  }
0xaf: {  	[dreg:$0x3] =	wrdreg $0x90000  }
0xb0: {  	[dreg:$0x4] =	wrdreg $0x9  }
0xb1: {  	_ =	task.clear_ibuf [dreg:s6], $0x5FFFF;
	_ =	strace $0x90000049  }
0xb2: {  	s29 =	simm.s32 $0x9;
	_ =	strace $0x8000004B  }
0xb3: {  	_ =	swait.ge [sflag:s29], $0x1  }
0xb4: {  	[sflag:s29] =	ssyncadd.s32 $0xFFFFFFFF  }
0xb5: {  	_ =	strace $0x9000004B  }
0xb6: {  	_ =	sfence  }
0xb7: {  	s30 =	sld [smem:$0x0];
	_ =	sdelay $0x2  }
0xb8: {  	s31 =	sshll.u32 s1, $0xD;
	s1 =	sshrl.u32 s1, $0x2  }
0xb9: {  	s3 =	sand.u32 $0x4000, s31;
	s1 =	sadd.s32 s1, s30  }
0xba: {  	s0 =	sor.u32 s3, s0;
	s1 =	sshll.u32 s1, $0x11  }
0xbb: {  	s0 =	sor.u32 s1, s0  }
0xbc: {  	s0 =	sadd.s32 $0x8F2B, s0  }
0xbd: {  	[sflag:s0] =	ssyncadd.remote.s32 $0x1  }
0xbe: {  	_ =	sfence.sel $0xFFFF  }
0xbf: {  	[dreg:$0x0] =	wrdreg $0xFFFFFFFF;
	(pc) =	sbr.abs _section_cstart, $3  }
0xc0: {  	[dreg:$0x1] =	wrdreg $0xFFFFFFFF  }
0xc1: {  	_ =	task.clear_ibuf [dreg:s6], $0x2FFFF;
	_ =	strace $0x9FFFFFFF  }
0xc2: {  	(tm) =	ssettm $0x7FFFFFFF  }
0xc3: {  	_ =	shalt  }
tec
execute0_lowered:
.L_overlay_start_1:
0x0: {  	(tag) =	ssettag $0x1  }
0x1: {  	s5 =	rddreg [dreg:$0x0]  }
0x2: {  	s2 =	rddreg [dreg:$0x1]  }
0x3: {  	s0 =	rddreg [dreg:$0x2];
	s3 =	simm.s32 $0x0;
	s1 =	stileid.u32  }
0x4: {  	s4 =	srdreg.scid;
	s14 =	simm.s32 $0x80;
	s15 =	simm.s32 $0x5000  }
0x5: {  	s16 =	simm.s32 $0x1;
	s17 =	simm.s32 $0x0;
	[smem:$0x7FF] =	sst s3  }
0x6: {  	s6 =	smul.u32 $0x14000, s1;
	s7 =	sand.u32 $0x1, s4;
	s28 =	sshll.u32 s1, $0x1  }
0x7: {  	s4 =	sadd.s32 $0x1400, s5;
	s29 =	smul.u32 $0x50000, s1;
	s31 =	sshll.u32 s1, $0x6  }
0x8: {  	_ =	strace $0x8000004A;
	s9 =	sor.u32 s7, s28;
	s10 =	smul.u32 $0x140000, s7  }
0x9: {  	s7 =	ssub.s32 $0x2, s7;
	s8 =	sshrl.u32 s6, $0x3;
	s9 =	smul.u32 $0x500, s9  }
0xa: {  	s11 =	sshrl.u32 s7, $0x1;
	s30 =	sshrl.u32 s29, $0x2;
	s8 =	sadd.s32 s8, s5  }
0xb: {  	s6 =	sadd.s32 s6, s10;
	s11 =	ssub.s32 s7, s11;
	s13 =	sadd.s32 s30, s2  }
0xc: {  	s9 =	sadd.s32 s9, s5;
	s6 =	sshrl.u32 s6, $0x3;
	s10 =	smax.u32 s11, $0x1  }
0xd: {  	s11 =	sshrl.u32 s13, $0x3;
	s13 =	simm.s32 $0x2800;
	s12 =	sadd.s32 s6, s5  }
0xe: {  	s5 =	sadd.s32 $0x3C600, s8;
	s6 =	sor.u32 $0x1C02, s31;
	s7 =	sadd.s32 $0x28600, s9  }
0xf: {  	s8 =	sadd.s32 $0x32600, s9;
	s9 =	sadd.s32 $0x64600, s12;
	s12 =	simm.s32 $0x2  }
.LBB2_1:
0x10: {  	[spmem:s11], [sflag:s6] =	dma.local [hbm:s5], $0x2800  }
0x11: {  	_ =	swait.ge [sflag:s12], $0x2800  }
0x12: {  	[sflag:s12] =	ssyncset.done $0x0  }
0x13: {  	[sflag:s12] =	ssyncadd.s32 $0xFFFFD800  }
0x14: {  	[tilespmem:s3], [sflag:$0x2] =	stream.linear.gather [hbm4b:s7+s3], $0x2800, $0x38;
	[tilespmem:$0x1D000] =	vst v63  }
0x15: {  	_ =	swait.ge [sflag:s12], $0x2800  }
0x16: {  	[sflag:s12] =	ssyncset.done $0x0  }
0x17: {  	[sflag:s12] =	ssyncadd.s32 $0xFFFFD800  }
0x18: {  	[tilespmem:s13], [sflag:$0x2] =	stream.linear.gather [hbm4b:s8+s3], $0x2800, $0x38;
	[tilespmem:$0x1D000] =	vst v63  }
0x19: {  	_ =	swait.ge [sflag:s12], $0x2800  }
0x1a: {  	[sflag:s12] =	ssyncset.done $0x0  }
0x1b: {  	[sflag:s12] =	ssyncadd.s32 $0xFFFFD800  }
0x1c: {  	s18 =	simm.s32 $0x0;
	[bflag:$0x0] =	sbarrier.arrive $0xFFFF  }
0x1d: {  	[tilespmem:s15], [sflag:$0x1] =	stream.indirect.gather [hbm4b:s4+s14], $0x80, s18, s14, $0xb8;
	[tilespmem:$0x1D000] =	vst v63  }
0x1e: {  	_ =	swait.ge [sflag:s16], $0x4000  }
0x1f: {  	[sflag:s16] =	ssyncset.done $0x0  }
0x20: {  	s31 =	simm.s32 $0x2800;
	[sflag:s16] =	ssyncadd.s32 $0xFFFFC000  }
0x21: {  	[spmem:s2] =	stream.indirect.scatter.add.f32 [tilespmem:s15], [sflag:$0x2], $0x80, s31, s14, $0xb8;
	[tilespmem:$0x1D000] =	vst v63  }
0x22: {  	_ =	swait.ge [sflag:s12], $0x4000  }
0x23: {  	s19 =	simm.s32 $0x400;
	s18 =	simm.s32 $0x200;
	[sflag:s12] =	ssyncset.done $0x0  }
.LBB2_2:
0x24: {  	s20 =	sshra.s32 s18, $0x2  }
0x25: {  	[sflag:s12] =	ssyncadd.s32 $0xFFFFC000;
	s18 =	smov.u32 s19;
	s21 =	sadd.s32 $0x200, s19  }
0x26: {  	[tilespmem:s15], [sflag:$0x1] =	stream.indirect.gather [hbm4b:s4+s14], $0x80, s20, s14, $0xb8;
	[tilespmem:$0x1D000] =	vst v63  }
0x27: {  	p0 =	sne.s32 s19, $0x9E00;
	_ =	swait.ge [sflag:s16], $0x4000  }
.Ltmp0:
0x28: {  	[sflag:s16] =	ssyncset.done $0x0;
	(pc) =	sbr.rel @p0 .LBB2_2-.Ltmp0, $4  }
0x29: {  	s19 =	sadd.s32 $0x2800, s20;
	[sflag:s16] =	ssyncadd.s32 $0xFFFFC000  }
0x2a: {  	[spmem:s2] =	stream.indirect.scatter.add.f32 [tilespmem:s15], [sflag:$0x2], $0x80, s19, s14, $0xb8;
	[tilespmem:$0x1D000] =	vst v63  }
0x2b: {  	_ =	swait.ge [sflag:s12], $0x4000  }
0x2c: {  	s19 =	smov.u32 s21;
	[sflag:s12] =	ssyncset.done $0x0  }
0x2d: {  	s18 =	sshra.s32 s18, $0x2;
	[sflag:s12] =	ssyncadd.s32 $0xFFFFC000  }
0x2e: {  	[tilespmem:s15], [sflag:$0x1] =	stream.indirect.gather [hbm4b:s4+s14], $0x80, s18, s14, $0xb8;
	[tilespmem:$0x1D000] =	vst v63  }
0x2f: {  	_ =	swait.ge [sflag:s16], $0x4000  }
0x30: {  	[sflag:s16] =	ssyncset.done $0x0  }
0x31: {  	s18 =	sadd.s32 $0x2800, s18;
	[sflag:s16] =	ssyncadd.s32 $0xFFFFC000  }
0x32: {  	[spmem:s2] =	stream.indirect.scatter.add.f32 [tilespmem:s15], [sflag:$0x2], $0x80, s18, s14, $0xb8;
	[tilespmem:$0x1D000] =	vst v63  }
0x33: {  	_ =	swait.ge [sflag:s12], $0x4000  }
0x34: {  	s17 =	sadd.s32 $0x1, s17;
	[sflag:s12] =	ssyncset.done $0x0  }
0x35: {  	p0 =	sne.s32 s17, s10;
	[sflag:s12] =	ssyncadd.s32 $0xFFFFC000  }
.Ltmp1:
0x36: {  	[bflag:$0x0] =	sbarrier.arrive $0xFFFF;
	(pc) =	sbr.rel @p0 .LBB2_1-.Ltmp1, $4  }
0x37: {  	[hbm:s9], [sflag:s6] =	dma.local [spmem:s11], $0x2800  }
0x38: {  	_ =	swait.ge [sflag:s12], $0x2800  }
0x39: {  	[sflag:s12] =	ssyncset.done $0x0  }
0x3a: {  	[sflag:s12] =	ssyncadd.s32 $0xFFFFD800  }
0x3b: {  	_ =	sfence.sel $0x180000  }
0x3c: {  	[bflag:$0x0] =	sbarrier.arrive $0xFFFF  }
0x3d: {  	p0 =	sne.s32 s1, $0x0;
	_ =	strace $0x9000004A  }
0x3e: {  	s0 =	sadd.s32 @!p0 $0x100000, s0;
	[bflag:$0x2] =	sbarrier.arrive $0xFFFF  }
0x3f: {  	[sflag:s0] =	ssyncadd.tile.s32 @!p0 $0x1;
	_ =	shalt  }
.Lfunc_end2:
_tile_overlayer_lowered:
.L_overlay_start_2:
0x40: {  	(tag) =	ssettag $0x2  }
0x41: {  	s0 =	rddreg [dreg:$0x0];
	s2 =	stileid.u32  }
0x42: {  	s1 =	rddreg [dreg:$0x1];
	p0 =	sne.s32 s2, $0x0  }
0x43: {  	s3 =	rddreg [dreg:$0x2];
	[bflag:$0x3] =	sbarrier.arrive $0xFFFF;
	s2 =	simm.s32 @!p0 $0x1C02  }
0x44: {  	[timem:s3], [sflag:s2] =	dma.local @!p0 [hbm:s0], s1  }
0x45: {  	s0 =	simm.s32 @!p0 $0x2  }
0x46: {  	_ =	swait.ge @!p0 [sflag:s0], s1  }
0x47: {  	s1 =	ssub.s32 @!p0 $0x0, s1;
	[sflag:s0] =	ssyncset.done @!p0 $0x0  }
0x48: {  	[sflag:s0] =	ssyncadd.s32 @!p0 s1  }
0x49: {  	[bflag:$0x3] =	sbarrier.arrive $0xFFFF  }
0x4a: {  	_ =	shalt  }

// kernel: kernel.7.cloned.1.call-start
scs
__scs_entry_jumppad:
0x0: {  	(pc) =	sbr.rel $0x88, $3  }
0x1: {  	(tag) =	ssettag $0x0;
	lr =	simm.s32 $0x1  }
0x2: {  	[smem:$0x3F99] =	sst lr;
	_ =	strace $0xD0000000  }
0x3: {  	_ = 	snop  }
0x4: {  	_ = 	snop  }
0x5: {  	_ = 	snop  }
0x6: {  	_ = 	snop  }
0x7: {  	_ = 	snop  }
__scs_overlays_trampoline_lowered:
0x8: {  	[smem:$0x3FA8] =	sst s0  }
0x9: {  	[smem:$0x3FA9] =	sst s1  }
0xa: {  	[smem:$0x3FAA] =	sst s2  }
0xb: {  	[smem:$0x3FAB] =	sst s3  }
0xc: {  	[smem:$0x3FAC] =	sst s4  }
0xd: {  	[smem:$0x3FAD] =	sst s5  }
0xe: {  	[smem:$0x3FAE] =	sst s6  }
0xf: {  	[smem:$0x3FAF] =	sst s7  }
0x10: {  	[smem:$0x3FB0] =	sst s8  }
0x11: {  	[smem:$0x3FB1] =	sst s9;
	s0 =	simm.s32 @!p0 $0x0  }
0x12: {  	s1 =	sld [smem:$0x3F97];
	s0 =	simm.s32 @p0 $0x1  }
0x13: {  	[smem:$0x3FB2] =	sst s0;
	s0 =	simm.s32 @!p1 $0x0  }
0x14: {  	s2 =	sld [smem:$0x3F96];
	s0 =	simm.s32 @p1 $0x1  }
0x15: {  	[smem:$0x3FB3] =	sst s0;
	s0 =	simm.s32 @!p2 $0x0  }
0x16: {  	s3 =	sld [smem:$0x3FDB];
	s0 =	simm.s32 @p2 $0x1  }
0x17: {  	s4 =	simm.s32 $0x1BF5;
	[smem:$0x3FB5] =	sst s0  }
0x18: {  	s0 =	sld [smem:$0x3F98];
	_ =	swait.ge [sflag:s4], $0x0  }
0x19: {  	s7 =	sld [smem:$0x3F99]  }
0x1a: {  	s8 =	sadd.s32 $0xFFFFE003, lr  }
0x1b: {  	s9 =	sadd.s32 $0xFFFFFEF7, lr;
	s5 =	simm.s32 $0xFFFFFFFF;
	p2 =	slt.u32 s8, $0xFFFFF086  }
0x1c: {  	p1 =	slt.u32 s9, $0xF7A;
	s5 =	simm.s32 @!p2 $0x0  }
0x1d: {  	s5 =	simm.s32 @p1 $0x1;
	p0 =	seq.s32 s7, s2  }
0x1e: {  	s7 =	smul.u32 @!p0 $0xF7A, s2;
	p2 =	seq.s32 @!p0 s5, $0x0  }
0x1f: {  	s9 =	smul.u32 $0xF7A, s1;
	s8 =	simm.s32 @!p0 $0x1BF5;
	p2 =	por !p2, p0  }
0x20: {  	[sflag:s8] =	ssyncset.s32 @!p0 $0xFFFFF086;
	s6 =	sadd.s32 @!p0 s3, s7;
	s7 =	simm.s32 @!p0 $0x108  }
0x21: {  	s3 =	sadd.s32 s3, s9;
	s6 =	sadd.s32 @!p0 $0x88, s6;
	s7 =	simm.s32 @p2 $0x1082  }
0x22: {  	[simem:s7], [sflag:s8] =	dma.local @!p0 [hbm:s6], $0xF7A  }
0x23: {  	s9 =	sor.u32 $0xD0000000, s2;
	s6 =	simm.s32 $0x108;
	_ =	swait.ge @!p0 [sflag:s8], $0x0  }
0x24: {  	s3 =	sadd.s32 $0x88, s3;
	s6 =	simm.s32 @!p1 $0x1082;
	[sflag:s4] =	ssyncset.s32 $0xFFFFF086  }
0x25: {  	[simem:s6], [sflag:s4] =	dma.local [hbm:s3], $0xF7A  }
0x26: {  	[smem:$0x3F99] =	sst s1;
	(tag) =	ssettag s2;
	_ =	strace s9  }
0x27: {  	s1 =	sld [smem:$0x3FA9]  }
0x28: {  	s2 =	sld [smem:$0x3FAA]  }
0x29: {  	s4 =	sld [smem:$0x3FAC]  }
0x2a: {  	p0 =	seq.s32 s5, $0x0;
	s5 =	sld [smem:$0x3FAD]  }
0x2b: {  	s6 =	sld [smem:$0x3FAE]  }
0x2c: {  	s7 =	sld [smem:$0x3FAF]  }
0x2d: {  	s3 =	simm.s32 $0x108;
	s8 =	sld [smem:$0x3FB0]  }
0x2e: {  	s3 =	simm.s32 @!p0 $0x1082;
	s9 =	sld [smem:$0x3FB1]  }
0x2f: {  	lr =	sadd.s32 s0, s3;
	s0 =	sld [smem:$0x3FA8]  }
0x30: {  	s3 =	sld [smem:$0x3FAB]  }
0x31: {  	[smem:$0x3FB4] =	sst s10  }
0x32: {  	s10 =	sld [smem:$0x3FB2];
	_ =	sdelay $0x3  }
0x33: {  	p0 =	seq.s32 s10, $0x1;
	s10 =	sld [smem:$0x3FB4];
	_ =	sdelay $0x3  }
0x34: {  	[smem:$0x3FB4] =	sst s10  }
0x35: {  	s10 =	sld [smem:$0x3FB3];
	_ =	sdelay $0x3  }
0x36: {  	p1 =	seq.s32 s10, $0x1;
	s10 =	sld [smem:$0x3FB4];
	_ =	sdelay $0x3  }
0x37: {  	[smem:$0x3FB4] =	sst s10  }
0x38: {  	s10 =	sld [smem:$0x3FB5]  }
0x39: {  	_ = 	snop;
	(pc) =	sbr.ind lr, $3  }
0x3a: {  	_ = 	snop  }
0x3b: {  	_ = 	snop  }
0x3c: {  	p2 =	seq.s32 s10, $0x1;
	s10 =	sld [smem:$0x3FB4]  }
0x3d: {  	_ =	shalt  }
0x3e: {  	_ =	shalt  }
0x3f: {  	_ =	shalt  }
0x40: {  	_ =	shalt  }
0x41: {  	_ =	shalt  }
0x42: {  	_ =	shalt  }
0x43: {  	_ =	shalt  }
0x44: {  	_ =	shalt  }
0x45: {  	_ =	shalt  }
0x46: {  	_ =	shalt  }
0x47: {  	_ =	shalt  }
0x48: {  	_ =	shalt  }
0x49: {  	_ =	shalt  }
0x4a: {  	_ =	shalt  }
0x4b: {  	_ =	shalt  }
0x4c: {  	_ =	shalt  }
0x4d: {  	_ =	shalt  }
0x4e: {  	_ =	shalt  }
0x4f: {  	_ =	shalt  }
0x50: {  	_ =	shalt  }
0x51: {  	_ =	shalt  }
0x52: {  	_ =	shalt  }
0x53: {  	_ =	shalt  }
0x54: {  	_ =	shalt  }
0x55: {  	_ =	shalt  }
0x56: {  	_ =	shalt  }
0x57: {  	_ =	shalt  }
0x58: {  	_ =	shalt  }
0x59: {  	_ =	shalt  }
0x5a: {  	_ =	shalt  }
0x5b: {  	_ =	shalt  }
0x5c: {  	_ =	shalt  }
0x5d: {  	_ =	shalt  }
0x5e: {  	_ =	shalt  }
0x5f: {  	_ =	shalt  }
0x60: {  	_ =	shalt  }
0x61: {  	_ =	shalt  }
0x62: {  	_ =	shalt  }
0x63: {  	_ =	shalt  }
0x64: {  	_ =	shalt  }
0x65: {  	_ =	shalt  }
0x66: {  	_ =	shalt  }
0x67: {  	_ =	shalt  }
0x68: {  	_ =	shalt  }
0x69: {  	_ =	shalt  }
0x6a: {  	_ =	shalt  }
0x6b: {  	_ =	shalt  }
0x6c: {  	_ =	shalt  }
0x6d: {  	_ =	shalt  }
0x6e: {  	_ =	shalt  }
0x6f: {  	_ =	shalt  }
0x70: {  	_ =	shalt  }
0x71: {  	_ =	shalt  }
0x72: {  	_ =	shalt  }
0x73: {  	_ =	shalt  }
0x74: {  	_ =	shalt  }
0x75: {  	_ =	shalt  }
0x76: {  	_ =	shalt  }
0x77: {  	_ =	shalt  }
0x78: {  	_ =	shalt  }
0x79: {  	_ =	shalt  }
0x7a: {  	_ =	shalt  }
0x7b: {  	_ =	shalt  }
0x7c: {  	_ =	shalt  }
0x7d: {  	_ =	shalt  }
0x7e: {  	_ =	shalt  }
0x7f: {  	_ =	shalt  }
0x80: {  	_ =	shalt  }
0x81: {  	_ =	shalt  }
0x82: {  	_ =	shalt  }
0x83: {  	_ =	shalt  }
0x84: {  	_ =	shalt  }
0x85: {  	_ =	shalt  }
0x86: {  	_ =	shalt  }
0x87: {  	_ =	shalt  }
.Lfunc_end0:
.L_simem_size_0:
called_computation_lowered:
.L_overlay_start_0:
0x88: {  	s2 =	sld [smem:$0x3FD9]  }
0x89: {  	s3 =	sld [smem:$0x3FFE];
	_ =	sdelay $0x1  }
0x8a: {  	s1 =	srdreg.scid  }
0x8b: {  	s0 =	sand.u32 $0x1, s1  }
0x8c: {  	s16 =	sshll.u32 s0, $0xA;
	s2 =	sadd.s32 s3, s2  }
0x8d: {  	s2 =	sadd.s32 s2, s16  }
0x8e: {  	[smem:$0x3FC0] =	sst s2  }
0x8f: {  	_ = 	snop  }
0x90: {  	(tm) =	ssettm $0x1  }
0x91: {  	s17 =	sld [smem:$0x3FFB];
	_ =	sdelay $0x3  }
0x92: {  	_ =	strace s17  }
0x93: {  	s2 =	sld [smem:$0x3FFC];
	_ =	sdelay $0x3  }
0x94: {  	_ =	strace s2  }
0x95: {  	s2 =	sld [smem:$0x3FFD];
	_ =	sdelay $0x3  }
0x96: {  	_ =	strace s2  }
0x97: {  	_ =	strace $0x8FFFFFFF  }
0x98: {  	s18 =	sld [smem:$0x3FDB];
	_ =	sdelay $0x1  }
0x99: {  	s19 =	simm.s32 $_scs_section_size  }
0x9a: {  	s4 =	simm.s32 $_size__tile_overlayer_lowered;
	s5 =	simm.s32 $_tile_overlayer_lowered  }
0x9b: {  	s22 =	simm.s32 $0x1BFF;
	s21 =	sshll.u32 s5, $0x1;
	s2 =	sadd.s32 s19, s18  }
0x9c: {  	s6 =	simm.s32 $0x0;
	s20 =	sshll.u32 s4, $0x1;
	s4 =	sadd.s32 s21, s2  }
0x9d: {  	[timem:s6], [sflag:s22] =	dma.local [hbm:s4], s20  }
0x9e: {  	_ =	swait.ge [sflag:s22], s20  }
0x9f: {  	s3 =	ssub.s32 $0x0, s20;
	[sflag:s22] =	ssyncset.done $0x0  }
0xa0: {  	[sflag:s22] =	ssyncadd.s32 s3;
	_ =	sdelay $0x1  }
0xa1: {  	s23 =	simm.s32 $0x1B8B  }
0xa2: {  	_ =	swait.ge [sflag:s23], $0x1  }
0xa3: {  	[sflag:s23] =	ssyncset.done $0x0  }
0xa4: {  	s25 =	simm.s32 $0x1B8E;
	s24 =	sld [smem:$0x3FFE];
	[sflag:s23] =	ssyncadd.s32 $0xFFFFFFFF  }
0xa5: {  	s26 =	simm.s32 $execute0_lowered;
	[smem:$0x3FD2] =	sst s25  }
0xa6: {  	s4 =	sshll.u32 s26, $0x1;
	_ =	strace $0x80000046;
	[dreg:$0x1] =	wrdreg $0xFFFFFFFF  }
0xa7: {  	s28 =	simm.s32 $_size_execute0_lowered;
	s2 =	sadd.s32 s2, s4;
	[dreg:$0x0] =	wrdreg $0x0  }
0xa8: {  	s4 =	sshll.u32 s28, $0x1;
	[dreg:$0x2] =	wrdreg s2  }
0xa9: {  	[dreg:$0x3] =	wrdreg s4  }
0xaa: {  	[dreg:$0x4] =	wrdreg $0xC0  }
0xab: {  	_ =	task [dreg:s6], $0x5FFFF  }
0xac: {  	[dreg:$0x1] =	wrdreg $0xFFFFFFFF  }
0xad: {  	[dreg:$0x0] =	wrdreg $0x60  }
0xae: {  	[dreg:$0x2] =	wrdreg s24  }
0xaf: {  	[dreg:$0x3] =	wrdreg $0x90000  }
0xb0: {  	[dreg:$0x4] =	wrdreg $0x9  }
0xb1: {  	_ =	task.clear_ibuf [dreg:s6], $0x5FFFF;
	_ =	strace $0x90000046  }
0xb2: {  	s29 =	simm.s32 $0x9;
	_ =	strace $0x80000048  }
0xb3: {  	_ =	swait.ge [sflag:s29], $0x1  }
0xb4: {  	[sflag:s29] =	ssyncadd.s32 $0xFFFFFFFF  }
0xb5: {  	_ =	strace $0x90000048  }
0xb6: {  	_ =	sfence  }
0xb7: {  	s30 =	sld [smem:$0x0];
	_ =	sdelay $0x2  }
0xb8: {  	s31 =	sshll.u32 s1, $0xD;
	s1 =	sshrl.u32 s1, $0x2  }
0xb9: {  	s3 =	sand.u32 $0x4000, s31;
	s1 =	sadd.s32 s1, s30  }
0xba: {  	s0 =	sor.u32 s3, s0;
	s1 =	sshll.u32 s1, $0x11  }
0xbb: {  	s0 =	sor.u32 s1, s0  }
0xbc: {  	s0 =	sadd.s32 $0x8F2B, s0  }
0xbd: {  	[sflag:s0] =	ssyncadd.remote.s32 $0x1  }
0xbe: {  	_ =	sfence.sel $0xFFFF  }
0xbf: {  	[dreg:$0x0] =	wrdreg $0xFFFFFFFF;
	(pc) =	sbr.abs _section_cstart, $3  }
0xc0: {  	[dreg:$0x1] =	wrdreg $0xFFFFFFFF  }
0xc1: {  	_ =	task.clear_ibuf [dreg:s6], $0x2FFFF;
	_ =	strace $0x9FFFFFFF  }
0xc2: {  	(tm) =	ssettm $0x7FFFFFFF  }
0xc3: {  	_ =	shalt  }
tec
execute0_lowered:
.L_overlay_start_1:
0x0: {  	(tag) =	ssettag $0x1  }
0x1: {  	s5 =	rddreg [dreg:$0x0]  }
0x2: {  	s2 =	rddreg [dreg:$0x1]  }
0x3: {  	s0 =	rddreg [dreg:$0x2];
	s3 =	simm.s32 $0x0;
	s1 =	stileid.u32  }
0x4: {  	s4 =	srdreg.scid;
	s14 =	simm.s32 $0x80;
	s15 =	simm.s32 $0x5000  }
0x5: {  	s16 =	simm.s32 $0x1;
	s17 =	simm.s32 $0x0;
	[smem:$0x7FF] =	sst s3  }
0x6: {  	s6 =	smul.u32 $0x14000, s1;
	s7 =	sand.u32 $0x1, s4;
	s28 =	sshll.u32 s1, $0x1  }
0x7: {  	s4 =	sadd.s32 $0x1400, s5;
	s29 =	smul.u32 $0x50000, s1;
	s31 =	sshll.u32 s1, $0x6  }
0x8: {  	_ =	strace $0x80000047;
	s9 =	sor.u32 s7, s28;
	s10 =	smul.u32 $0x140000, s7  }
0x9: {  	s7 =	ssub.s32 $0x2, s7;
	s8 =	sshrl.u32 s6, $0x3;
	s9 =	smul.u32 $0x500, s9  }
0xa: {  	s11 =	sshrl.u32 s7, $0x1;
	s30 =	sshrl.u32 s29, $0x2;
	s8 =	sadd.s32 s8, s5  }
0xb: {  	s6 =	sadd.s32 s6, s10;
	s11 =	ssub.s32 s7, s11;
	s13 =	sadd.s32 s30, s2  }
0xc: {  	s9 =	sadd.s32 s9, s5;
	s6 =	sshrl.u32 s6, $0x3;
	s10 =	smax.u32 s11, $0x1  }
0xd: {  	s11 =	sshrl.u32 s13, $0x3;
	s13 =	simm.s32 $0x2800;
	s12 =	sadd.s32 s6, s5  }
0xe: {  	s5 =	sadd.s32 $0x3C600, s8;
	s6 =	sor.u32 $0x1C02, s31;
	s7 =	sadd.s32 $0x28600, s9  }
0xf: {  	s8 =	sadd.s32 $0x32600, s9;
	s9 =	sadd.s32 $0x64600, s12;
	s12 =	simm.s32 $0x2  }
.LBB2_1:
0x10: {  	[spmem:s11], [sflag:s6] =	dma.local [hbm:s5], $0x2800  }
0x11: {  	_ =	swait.ge [sflag:s12], $0x2800  }
0x12: {  	[sflag:s12] =	ssyncset.done $0x0  }
0x13: {  	[sflag:s12] =	ssyncadd.s32 $0xFFFFD800  }
0x14: {  	[tilespmem:s3], [sflag:$0x2] =	stream.linear.gather [hbm4b:s7+s3], $0x2800, $0x38;
	[tilespmem:$0x1D000] =	vst v63  }
0x15: {  	_ =	swait.ge [sflag:s12], $0x2800  }
0x16: {  	[sflag:s12] =	ssyncset.done $0x0  }
0x17: {  	[sflag:s12] =	ssyncadd.s32 $0xFFFFD800  }
0x18: {  	[tilespmem:s13], [sflag:$0x2] =	stream.linear.gather [hbm4b:s8+s3], $0x2800, $0x38;
	[tilespmem:$0x1D000] =	vst v63  }
0x19: {  	_ =	swait.ge [sflag:s12], $0x2800  }
0x1a: {  	[sflag:s12] =	ssyncset.done $0x0  }
0x1b: {  	[sflag:s12] =	ssyncadd.s32 $0xFFFFD800  }
0x1c: {  	s18 =	simm.s32 $0x0;
	[bflag:$0x0] =	sbarrier.arrive $0xFFFF  }
0x1d: {  	[tilespmem:s15], [sflag:$0x1] =	stream.indirect.gather [hbm4b:s4+s14], $0x80, s18, s14, $0xb8;
	[tilespmem:$0x1D000] =	vst v63  }
0x1e: {  	_ =	swait.ge [sflag:s16], $0x4000  }
0x1f: {  	[sflag:s16] =	ssyncset.done $0x0  }
0x20: {  	s31 =	simm.s32 $0x2800;
	[sflag:s16] =	ssyncadd.s32 $0xFFFFC000  }
0x21: {  	[spmem:s2] =	stream.indirect.scatter.add.f32 [tilespmem:s15], [sflag:$0x2], $0x80, s31, s14, $0xb8;
	[tilespmem:$0x1D000] =	vst v63  }
0x22: {  	_ =	swait.ge [sflag:s12], $0x4000  }
0x23: {  	s19 =	simm.s32 $0x400;
	s18 =	simm.s32 $0x200;
	[sflag:s12] =	ssyncset.done $0x0  }
.LBB2_2:
0x24: {  	s20 =	sshra.s32 s18, $0x2  }
0x25: {  	[sflag:s12] =	ssyncadd.s32 $0xFFFFC000;
	s18 =	smov.u32 s19;
	s21 =	sadd.s32 $0x200, s19  }
0x26: {  	[tilespmem:s15], [sflag:$0x1] =	stream.indirect.gather [hbm4b:s4+s14], $0x80, s20, s14, $0xb8;
	[tilespmem:$0x1D000] =	vst v63  }
0x27: {  	p0 =	sne.s32 s19, $0x9E00;
	_ =	swait.ge [sflag:s16], $0x4000  }
.Ltmp0:
0x28: {  	[sflag:s16] =	ssyncset.done $0x0;
	(pc) =	sbr.rel @p0 .LBB2_2-.Ltmp0, $4  }
0x29: {  	s19 =	sadd.s32 $0x2800, s20;
	[sflag:s16] =	ssyncadd.s32 $0xFFFFC000  }
0x2a: {  	[spmem:s2] =	stream.indirect.scatter.add.f32 [tilespmem:s15], [sflag:$0x2], $0x80, s19, s14, $0xb8;
	[tilespmem:$0x1D000] =	vst v63  }
0x2b: {  	_ =	swait.ge [sflag:s12], $0x4000  }
0x2c: {  	s19 =	smov.u32 s21;
	[sflag:s12] =	ssyncset.done $0x0  }
0x2d: {  	s18 =	sshra.s32 s18, $0x2;
	[sflag:s12] =	ssyncadd.s32 $0xFFFFC000  }
0x2e: {  	[tilespmem:s15], [sflag:$0x1] =	stream.indirect.gather [hbm4b:s4+s14], $0x80, s18, s14, $0xb8;
	[tilespmem:$0x1D000] =	vst v63  }
0x2f: {  	_ =	swait.ge [sflag:s16], $0x4000  }
0x30: {  	[sflag:s16] =	ssyncset.done $0x0  }
0x31: {  	s18 =	sadd.s32 $0x2800, s18;
	[sflag:s16] =	ssyncadd.s32 $0xFFFFC000  }
0x32: {  	[spmem:s2] =	stream.indirect.scatter.add.f32 [tilespmem:s15], [sflag:$0x2], $0x80, s18, s14, $0xb8;
	[tilespmem:$0x1D000] =	vst v63  }
0x33: {  	_ =	swait.ge [sflag:s12], $0x4000  }
0x34: {  	s17 =	sadd.s32 $0x1, s17;
	[sflag:s12] =	ssyncset.done $0x0  }
0x35: {  	p0 =	sne.s32 s17, s10;
	[sflag:s12] =	ssyncadd.s32 $0xFFFFC000  }
.Ltmp1:
0x36: {  	[bflag:$0x0] =	sbarrier.arrive $0xFFFF;
	(pc) =	sbr.rel @p0 .LBB2_1-.Ltmp1, $4  }
0x37: {  	[hbm:s9], [sflag:s6] =	dma.local [spmem:s11], $0x2800  }
0x38: {  	_ =	swait.ge [sflag:s12], $0x2800  }
0x39: {  	[sflag:s12] =	ssyncset.done $0x0  }
0x3a: {  	[sflag:s12] =	ssyncadd.s32 $0xFFFFD800  }
0x3b: {  	_ =	sfence.sel $0x180000  }
0x3c: {  	[bflag:$0x0] =	sbarrier.arrive $0xFFFF  }
0x3d: {  	p0 =	sne.s32 s1, $0x0;
	_ =	strace $0x90000047  }
0x3e: {  	s0 =	sadd.s32 @!p0 $0x100000, s0;
	[bflag:$0x2] =	sbarrier.arrive $0xFFFF  }
0x3f: {  	[sflag:s0] =	ssyncadd.tile.s32 @!p0 $0x1;
	_ =	shalt  }
.Lfunc_end2:
_tile_overlayer_lowered:
.L_overlay_start_2:
0x40: {  	(tag) =	ssettag $0x2  }
0x41: {  	s0 =	rddreg [dreg:$0x0];
	s2 =	stileid.u32  }
0x42: {  	s1 =	rddreg [dreg:$0x1];
	p0 =	sne.s32 s2, $0x0  }
0x43: {  	s3 =	rddreg [dreg:$0x2];
	[bflag:$0x3] =	sbarrier.arrive $0xFFFF;
	s2 =	simm.s32 @!p0 $0x1C02  }
0x44: {  	[timem:s3], [sflag:s2] =	dma.local @!p0 [hbm:s0], s1  }
0x45: {  	s0 =	simm.s32 @!p0 $0x2  }
0x46: {  	_ =	swait.ge @!p0 [sflag:s0], s1  }
0x47: {  	s1 =	ssub.s32 @!p0 $0x0, s1;
	[sflag:s0] =	ssyncset.done @!p0 $0x0  }
0x48: {  	[sflag:s0] =	ssyncadd.s32 @!p0 s1  }
0x49: {  	[bflag:$0x3] =	sbarrier.arrive $0xFFFF  }
0x4a: {  	_ =	shalt  }

</sc_bundles>
